<compile_context>
chip_gen: v7x
topology: tpu7x:2x2x1
jax: 0.10.2.dev20260603
libtpu: 0.0.44.dev20260713+nightly
codegen_flags: <defaults>
</compile_context>

<pallas_src>
import jax
import jax.numpy as jnp
from jax import lax
from jax.experimental import pallas as pl
from jax.experimental.pallas import tpu as pltpu
from jax.experimental.pallas import tpu_sc as plsc

_DIM = 768
_ML = 1000
_S = 512
_NC = 2
_NW = 32
_CH = 64
_NCK = _S // _CH
_G = 8
_GR = 128
_UPW = 15
_LPW = 1
_RV = 640
_T0 = 480


def _sc_body(tab_hbm, out_hbm, idx_s, idx, buf, rev, gsem, ssem, lsem):
    cid = lax.axis_index("c")
    sid = lax.axis_index("s")
    wid = sid * _NC + cid

    @pl.when(sid < _RV // 64)
    def _stage():
        base_s = 1031 - 4 * cid - 64 * sid
        for q in range(4):
            idx_s[pl.ds(16 * q, 16)] = base_s - 16 * q - lax.iota(jnp.int32, 16)
        cp = pltpu.make_async_copy(
            tab_hbm.at[idx_s], buf.at[pl.ds(0, 64), :], gsem
        )
        cp.start()
        cp.wait()
        pltpu.sync_copy(buf.at[pl.ds(0, 64), :], rev.at[pl.ds(64 * sid, 64), :])

    plsc.subcore_barrier()

    for l in range(_LPW):
        q = 48 + _LPW * sid + l
        i = 8 * q + 7 - 4 * cid
        m0 = pl.multiple_of(8 * (63 - q), 8)
        pltpu.make_async_copy(
            rev.at[pl.ds(m0, _S), :], out_hbm.at[i], lsem
        ).start()

    def _unit(s, carry):
        unit = _UPW * wid + s
        grp = unit // _NCK
        k = unit % _NCK
        r_idx = grp // 8
        rr = jnp.where(
            grp < 48,
            r_idx + jnp.where(r_idx >= 3, 1, 0),
            jnp.where(grp < 54, 3, 7),
        )
        u = jnp.where(grp < 48, grp % 8, jnp.where(grp < 54, grp - 48, grp - 54))
        j0 = pl.multiple_of(_CH * k, _CH)
        base = 64 * u + 56 + rr + _ML - _T0 - j0

        @pl.when(s > 0)
        def _():
            for m in range(_G):
                pltpu.make_async_copy(
                    buf.at[pl.ds(0, _CH), :],
                    out_hbm.at[0, pl.ds(0, _CH), :],
                    ssem,
                ).wait()

        for q in range(_GR // 16):
            idx[pl.ds(16 * q, 16)] = base - 16 * q - lax.iota(jnp.int32, 16)
        cp = pltpu.make_async_copy(tab_hbm.at[idx], buf, gsem)
        cp.start()
        cp.wait()

        for m in range(_G):
            pltpu.make_async_copy(
                buf.at[pl.ds(56 - 8 * m, _CH), :],
                out_hbm.at[64 * u + 8 * m + rr, pl.ds(j0, _CH), :],
                ssem,
            ).start()
        return carry

    lax.fori_loop(0, _UPW, _unit, 0, unroll=False)

    for m in range(_G):
        pltpu.make_async_copy(
            buf.at[pl.ds(0, _CH), :], out_hbm.at[0, pl.ds(0, _CH), :], ssem
        ).wait()
    for l in range(_LPW):
        pltpu.make_async_copy(
            rev.at[pl.ds(0, _S), :], out_hbm.at[0], lsem
        ).wait()


def kernel(hidden_states, pe_k_weight):
    s = hidden_states.shape[1]
    mesh = plsc.VectorSubcoreMesh(core_axis_name="c", subcore_axis_name="s")
    run = pl.kernel(
        _sc_body,
        out_type=jax.ShapeDtypeStruct((s, s, _DIM), jnp.float32),
        mesh=mesh,
        scratch_types=[
            pltpu.VMEM((64,), jnp.int32),
            pltpu.VMEM((_GR,), jnp.int32),
            pltpu.VMEM((_GR, _DIM), jnp.float32),
            pltpu.VMEM_SHARED((_RV, _DIM), jnp.float32),
            pltpu.SemaphoreType.DMA,
            pltpu.SemaphoreType.DMA,
            pltpu.SemaphoreType.DMA,
        ],
    )
    return run(pe_k_weight[_T0:_T0 + 1032])

# --- scband reference (transcript-rebuilt; emitter-appended) ---
"""Pipeline reference for scband-speech-t5-relative-positional-encoding-884763263348 (READ-ONLY COPY).

The authoritative reference and input builder live on the scoring server;
editing this copy changes nothing except your own understanding.
"""

import jax, jax.numpy as jnp
import numpy as np

DIM = 768
MAX_LENGTH = 1000


def setup_inputs(seed: int = 0) -> dict:
    key = jax.random.key(seed)
    k1, k2 = jax.random.split(key)
    hidden_states = jax.random.normal(k1, (8, 512, DIM), dtype=jnp.float32)
    pe_k_weight = jax.random.normal(k2, (2 * MAX_LENGTH, DIM), dtype=jnp.float32) * 0.02
    return {"hidden_states": hidden_states, "pe_k_weight": pe_k_weight}


def reference(hidden_states, pe_k_weight):
    seq_len = hidden_states.shape[1]
    pos_seq = jnp.arange(0, seq_len, dtype=jnp.int32)
    pos_seq = pos_seq[:, None] - pos_seq[None, :]
    pos_seq = jnp.where(pos_seq < -MAX_LENGTH, -MAX_LENGTH, pos_seq)
    pos_seq = jnp.where(pos_seq >= MAX_LENGTH, MAX_LENGTH - 1, pos_seq)
    pos_seq = pos_seq + MAX_LENGTH
    return jnp.take(pe_k_weight, pos_seq, axis=0)

if __name__ == "__main__":
    import jax
    _d = setup_inputs()
    print(jax.jit(kernel)(*tuple(_d.values())))

</pallas_src>

<mosaic_0001>
#map = affine_map<(d0, d1) -> (0, 0)>
#map1 = affine_map<(d0, d1) -> (0, 0, 0)>
module attributes {stable_mosaic.version = 14 : i64} {
  func.func @_sc_body(%arg0: i32, %arg1: i32, %arg2: memref<1032x768xf32, #tpu.memory_space<hbm>>, %arg3: memref<512x512x768xf32, #tpu.memory_space<hbm>>, %arg4: memref<64xi32, #tpu.memory_space<vmem>>, %arg5: memref<128xi32, #tpu.memory_space<vmem>>, %arg6: memref<128x768xf32, #tpu.memory_space<vmem>>, %arg7: memref<640x768xf32, #tpu.memory_space<vmem_shared>>, %arg8: memref<!tpu.dma_semaphore, #tpu.memory_space<semaphore_mem>>, %arg9: memref<!tpu.dma_semaphore, #tpu.memory_space<semaphore_mem>>, %arg10: memref<!tpu.dma_semaphore, #tpu.memory_space<semaphore_mem>>) attributes {dimension_semantics = [#tpu.dimension_semantics<core_parallel>, #tpu.dimension_semantics<subcore_parallel>], iteration_bounds = array<i64: 2, 16>, scalar_prefetch = 0 : i64, scratch_operands = 7 : i64, tpu.core_type = #tpu.core_type<sc_vector_subcore>, window_params = [{transform_indices = #map}, {transform_indices = #map1}]} {
    %mul3A = arith.constant 2 : i32
    %mul3A_0 = arith.muli %arg1, %mul3A : i32
    %add3A = arith.addi %mul3A_0, %arg0 : i32
    %lt3A = arith.constant 10 : i32
    %lt3A_1 = arith.cmpi slt, %arg1, %lt3A : i32
    %convert_element_type3A = arith.extui %lt3A_1 : i1 to i32
    %cond3A = arith.constant 0 : i32
    %cond3A_2 = arith.cmpi ne, %convert_element_type3A, %cond3A : i32
    scf.if %cond3A_2 {
      %mul3A_156 = arith.constant 4 : i32
      %mul3A_157 = arith.muli %mul3A_156, %arg0 : i32
      %sub3A_158 = arith.constant 1031 : i32
      %sub3A_159 = arith.subi %sub3A_158, %mul3A_157 : i32
      %mul3A_160 = arith.constant 64 : i32
      %mul3A_161 = arith.muli %mul3A_160, %arg1 : i32
      %sub3A_162 = arith.subi %sub3A_159, %mul3A_161 : i32
      %sub3A_163 = arith.constant 0 : i32
      %sub3A_164 = arith.subi %sub3A_162, %sub3A_163 : i32
      %iota3A = tpu.iota {dimensions = array<i32: 0>} : vector<16xi32>
      %sub3A_165 = vector.broadcast %sub3A_164 : i32 to vector<16xi32>
      %sub3A_166 = arith.subi %sub3A_165, %iota3A : vector<16xi32>
      %swap3A = arith.constant 0 : index
      %swap3A_167 = tpu.vector_load %arg4[%swap3A] {strides = array<i32>} : memref<64xi32, #tpu.memory_space<vmem>>, vector<16xi32>,
      %swap3A_168 = vector.shape_cast %swap3A_167 : vector<16xi32> to vector<16xi32>
      %swap3A_169 = vector.shape_cast %sub3A_166 : vector<16xi32> to vector<16xi32>
      tpu.vector_store %arg4[%swap3A], %swap3A_169 {strides = array<i32>} : memref<64xi32, #tpu.memory_space<vmem>>, vector<16xi32>,
      %sub3A_170 = arith.constant 16 : i32
      %sub3A_171 = arith.subi %sub3A_162, %sub3A_170 : i32
      %iota3A_172 = tpu.iota {dimensions = array<i32: 0>} : vector<16xi32>
      %sub3A_173 = vector.broadcast %sub3A_171 : i32 to vector<16xi32>
      %sub3A_174 = arith.subi %sub3A_173, %iota3A_172 : vector<16xi32>
      %swap3A_175 = arith.constant 16 : index
      %swap3A_176 = tpu.vector_load %arg4[%swap3A_175] {strides = array<i32>} : memref<64xi32, #tpu.memory_space<vmem>>, vector<16xi32>,
      %swap3A_177 = vector.shape_cast %swap3A_176 : vector<16xi32> to vector<16xi32>
      %swap3A_178 = vector.shape_cast %sub3A_174 : vector<16xi32> to vector<16xi32>
      tpu.vector_store %arg4[%swap3A_175], %swap3A_178 {strides = array<i32>} : memref<64xi32, #tpu.memory_space<vmem>>, vector<16xi32>,
      %sub3A_179 = arith.constant 32 : i32
      %sub3A_180 = arith.subi %sub3A_162, %sub3A_179 : i32
      %iota3A_181 = tpu.iota {dimensions = array<i32: 0>} : vector<16xi32>
      %sub3A_182 = vector.broadcast %sub3A_180 : i32 to vector<16xi32>
      %sub3A_183 = arith.subi %sub3A_182, %iota3A_181 : vector<16xi32>
      %swap3A_184 = arith.constant 32 : index
      %swap3A_185 = tpu.vector_load %arg4[%swap3A_184] {strides = array<i32>} : memref<64xi32, #tpu.memory_space<vmem>>, vector<16xi32>,
      %swap3A_186 = vector.shape_cast %swap3A_185 : vector<16xi32> to vector<16xi32>
      %swap3A_187 = vector.shape_cast %sub3A_183 : vector<16xi32> to vector<16xi32>
      tpu.vector_store %arg4[%swap3A_184], %swap3A_187 {strides = array<i32>} : memref<64xi32, #tpu.memory_space<vmem>>, vector<16xi32>,
      %sub3A_188 = arith.constant 48 : i32
      %sub3A_189 = arith.subi %sub3A_162, %sub3A_188 : i32
      %iota3A_190 = tpu.iota {dimensions = array<i32: 0>} : vector<16xi32>
      %sub3A_191 = vector.broadcast %sub3A_189 : i32 to vector<16xi32>
      %sub3A_192 = arith.subi %sub3A_191, %iota3A_190 : vector<16xi32>
      %swap3A_193 = arith.constant 48 : index
      %swap3A_194 = tpu.vector_load %arg4[%swap3A_193] {strides = array<i32>} : memref<64xi32, #tpu.memory_space<vmem>>, vector<16xi32>,
      %swap3A_195 = vector.shape_cast %swap3A_194 : vector<16xi32> to vector<16xi32>
      %swap3A_196 = vector.shape_cast %sub3A_192 : vector<16xi32> to vector<16xi32>
      tpu.vector_store %arg4[%swap3A_193], %swap3A_196 {strides = array<i32>} : memref<64xi32, #tpu.memory_space<vmem>>, vector<16xi32>,
      %dma_start3A_197 = arith.constant 0 : i32
      %dma_start3A_198 = arith.constant 0 : i32
      %dma_start3A_199 = tpu.memref_slice %arg6[%dma_start3A_197, %dma_start3A_198] : memref<128x768xf32, #tpu.memory_space<vmem>> -> memref<64x768xf32, #tpu.memory_space<vmem>>
      %dma_start3A_200 = arith.constant 0 : i32
      %dma_start3A_201 = arith.constant 0 : i32
      %dma_start3A_202 = tpu.memref_slice %arg2[%dma_start3A_200, %dma_start3A_201] : memref<1032x768xf32, #tpu.memory_space<hbm>> -> memref<1032x768xf32, #tpu.memory_space<hbm>>
      tpu.enqueue_indirect_dma source(%dma_start3A_202 : memref<1032x768xf32, #tpu.memory_space<hbm>>) target(%dma_start3A_199 : memref<64x768xf32, #tpu.memory_space<vmem>>) offsets(%arg4 : memref<64xi32, #tpu.memory_space<vmem>>) semaphore(%arg8 : memref<!tpu.dma_semaphore, #tpu.memory_space<semaphore_mem>>)
      %dma_wait3A_203 = arith.constant 0 : i32
      %dma_wait3A_204 = arith.constant 0 : i32
      %dma_wait3A_205 = tpu.memref_slice %arg6[%dma_wait3A_203, %dma_wait3A_204] : memref<128x768xf32, #tpu.memory_space<vmem>> -> memref<64x768xf32, #tpu.memory_space<vmem>>
      %dma_wait3A_206 = arith.constant 0 : i32
      %dma_wait3A_207 = arith.constant 0 : i32
      %dma_wait3A_208 = tpu.memref_slice %arg2[%dma_wait3A_206, %dma_wait3A_207] : memref<1032x768xf32, #tpu.memory_space<hbm>> -> memref<1032x768xf32, #tpu.memory_space<hbm>>
      tpu.wait_indirect_dma semaphore(%arg8 : memref<!tpu.dma_semaphore, #tpu.memory_space<semaphore_mem>>) src(%dma_wait3A_208 : memref<1032x768xf32, #tpu.memory_space<hbm>>) dst(%dma_wait3A_205 : memref<64x768xf32, #tpu.memory_space<vmem>>)
      %mul3A_209 = arith.constant 64 : i32
      %mul3A_210 = arith.muli %mul3A_209, %arg1 : i32
      "tpu.region"() ({
        %run_scoped3A = tpu.sem_alloc : memref<!tpu.dma_semaphore, #tpu.memory_space<semaphore_mem>>
        %dma_start3A_211 = arith.constant 0 : i32
        %dma_start3A_212 = arith.constant 0 : i32
        %dma_start3A_213 = tpu.memref_slice %arg6[%dma_start3A_211, %dma_start3A_212] : memref<128x768xf32, #tpu.memory_space<vmem>> -> memref<64x768xf32, #tpu.memory_space<vmem>>
        %dma_start3A_214 = arith.constant 0 : i32
        %dma_start3A_215 = tpu.memref_slice %arg7[%mul3A_210, %dma_start3A_214] : memref<640x768xf32, #tpu.memory_space<vmem_shared>> -> memref<64x768xf32, #tpu.memory_space<vmem_shared>>
        %dma_start3A_216 = arith.constant 0 : i32
        %dma_start3A_217 = tpu.memref_slice %arg7[%mul3A_210, %dma_start3A_216] : memref<640x768xf32, #tpu.memory_space<vmem_shared>> -> memref<64x768xf32, #tpu.memory_space<vmem_shared>>
        %dma_start3A_218 = arith.constant 0 : i32
        %dma_start3A_219 = arith.constant 0 : i32
        %dma_start3A_220 = tpu.memref_slice %arg6[%dma_start3A_218, %dma_start3A_219] : memref<128x768xf32, #tpu.memory_space<vmem>> -> memref<64x768xf32, #tpu.memory_space<vmem>>
        tpu.enqueue_dma source(%dma_start3A_220 : memref<64x768xf32, #tpu.memory_space<vmem>>) target(%dma_start3A_217 : memref<64x768xf32, #tpu.memory_space<vmem_shared>>) target_semaphore(%run_scoped3A : memref<!tpu.dma_semaphore, #tpu.memory_space<semaphore_mem>>)
        %dma_wait3A_221 = arith.constant 0 : i32
        %dma_wait3A_222 = arith.constant 0 : i32
        %dma_wait3A_223 = tpu.memref_slice %arg6[%dma_wait3A_221, %dma_wait3A_222] : memref<128x768xf32, #tpu.memory_space<vmem>> -> memref<64x768xf32, #tpu.memory_space<vmem>>
        %dma_wait3A_224 = arith.constant 0 : i32
        %dma_wait3A_225 = tpu.memref_slice %arg7[%mul3A_210, %dma_wait3A_224] : memref<640x768xf32, #tpu.memory_space<vmem_shared>> -> memref<64x768xf32, #tpu.memory_space<vmem_shared>>
        %dma_wait3A_226 = arith.constant 0 : i32
        %dma_wait3A_227 = tpu.memref_slice %arg7[%mul3A_210, %dma_wait3A_226] : memref<640x768xf32, #tpu.memory_space<vmem_shared>> -> memref<64x768xf32, #tpu.memory_space<vmem_shared>>
        %dma_wait3A_228 = arith.constant 0 : i32
        %dma_wait3A_229 = arith.constant 0 : i32
        %dma_wait3A_230 = tpu.memref_slice %arg6[%dma_wait3A_228, %dma_wait3A_229] : memref<128x768xf32, #tpu.memory_space<vmem>> -> memref<64x768xf32, #tpu.memory_space<vmem>>
        tpu.wait_dma2 semaphore(%run_scoped3A : memref<!tpu.dma_semaphore, #tpu.memory_space<semaphore_mem>>) src(%dma_wait3A_230 : memref<64x768xf32, #tpu.memory_space<vmem>>) dst(%dma_wait3A_227 : memref<64x768xf32, #tpu.memory_space<vmem_shared>>)
        tpu.yield
      }) : () -> ()
    } else {
    }
    %barrier3A = arith.constant 0 : index
    tpu.barrier barrier_id(%barrier3A)
    %mul3A_3 = arith.constant 1 : i32
    %mul3A_4 = arith.muli %mul3A_3, %arg1 : i32
    %add3A_5 = arith.constant 48 : i32
    %add3A_6 = arith.addi %add3A_5, %mul3A_4 : i32
    %add3A_7 = arith.constant 0 : i32
    %add3A_8 = arith.addi %add3A_6, %add3A_7 : i32
    %mul3A_9 = arith.constant 8 : i32
    %mul3A_10 = arith.muli %mul3A_9, %add3A_8 : i32
    %add3A_11 = arith.constant 7 : i32
    %add3A_12 = arith.addi %mul3A_10, %add3A_11 : i32
    %mul3A_13 = arith.constant 4 : i32
    %mul3A_14 = arith.muli %mul3A_13, %arg0 : i32
    %sub3A = arith.subi %add3A_12, %mul3A_14 : i32
    %sub3A_15 = arith.constant 63 : i32
    %sub3A_16 = arith.subi %sub3A_15, %add3A_8 : i32
    %mul3A_17 = arith.constant 8 : i32
    %mul3A_18 = arith.muli %mul3A_17, %sub3A_16 : i32
    %multiple_of3A = tpu.assume_multiple %mul3A_18, 8 : i32
    %dma_start3A = arith.constant 0 : i32
    %dma_start3A_19 = arith.constant 0 : i32
    %dma_start3A_20 = tpu.memref_slice %arg3[%sub3A, %dma_start3A, %dma_start3A_19] : memref<512x512x768xf32, #tpu.memory_space<hbm>> -> memref<1x512x768xf32, #tpu.memory_space<hbm>>
    %dma_start3A_21 = tpu.memref_squeeze %dma_start3A_20 : memref<1x512x768xf32, #tpu.memory_space<hbm>> -> memref<512x768xf32, #tpu.memory_space<hbm>>
    %dma_start3A_22 = arith.constant 0 : i32
    %dma_start3A_23 = tpu.memref_slice %arg7[%multiple_of3A, %dma_start3A_22] : memref<640x768xf32, #tpu.memory_space<vmem_shared>> -> memref<512x768xf32, #tpu.memory_space<vmem_shared>>
    tpu.enqueue_dma source(%dma_start3A_23 : memref<512x768xf32, #tpu.memory_space<vmem_shared>>) target(%dma_start3A_21 : memref<512x768xf32, #tpu.memory_space<hbm>>) target_semaphore(%arg10 : memref<!tpu.dma_semaphore, #tpu.memory_space<semaphore_mem>>)
    %scan3A = arith.constant 0 : i32
    %scan3A_24 = arith.constant 0 : i32
    %scan3A_25 = arith.constant 15 : i32
    %scan3A_26 = arith.addi %scan3A_24, %scan3A_25 : i32
    %scan3A_27 = arith.constant 1 : i32
    scf.for %scan3A_156 = %scan3A_24 to %scan3A_26 step %scan3A_27  : i32 {
      %mul3A_157 = arith.constant 15 : i32
      %mul3A_158 = arith.muli %mul3A_157, %add3A : i32
      %add3A_159 = arith.addi %mul3A_158, %scan3A_156 : i32
      %jit3A = arith.constant 8 : i32
      %div3A = arith.divsi %add3A_159, %jit3A : i32
      %sign3A = arith.constant 0 : i32
      %sign3A_160 = arith.cmpi sgt, %add3A_159, %sign3A : i32
      %sign3A_161 = arith.extui %sign3A_160 : i1 to i32
      %sign3A_162 = arith.constant 0 : i32
      %sign3A_163 = arith.cmpi slt, %add3A_159, %sign3A_162 : i32
      %sign3A_164 = arith.extui %sign3A_163 : i1 to i32
      %sign3A_165 = arith.subi %sign3A_161, %sign3A_164 : i32
      %sign3A_166 = arith.constant 0 : i32
      %sign3A_167 = arith.cmpi sgt, %jit3A, %sign3A_166 : i32
      %sign3A_168 = arith.extui %sign3A_167 : i1 to i32
      %sign3A_169 = arith.constant 0 : i32
      %sign3A_170 = arith.cmpi slt, %jit3A, %sign3A_169 : i32
      %sign3A_171 = arith.extui %sign3A_170 : i1 to i32
      %sign3A_172 = arith.subi %sign3A_168, %sign3A_171 : i32
      %ne3A = arith.cmpi ne, %sign3A_165, %sign3A_172 : i32
      %rem3A = arith.remsi %add3A_159, %jit3A : i32
      %ne3A_173 = arith.constant 0 : i32
      %ne3A_174 = arith.cmpi ne, %rem3A, %ne3A_173 : i32
      %and3A = arith.andi %ne3A, %ne3A_174 : i1
      %sub3A_175 = arith.constant 1 : i32
      %sub3A_176 = arith.subi %div3A, %sub3A_175 : i32
      %select_n3A = arith.select %and3A, %sub3A_176, %div3A : i32
      %jit3A_177 = arith.constant 8 : i32
      %eq3A = arith.constant 0 : i32
      %eq3A_178 = arith.cmpi eq, %jit3A_177, %eq3A : i32
      %jit3A_179 = arith.constant 1 : i32
      %select_n3A_180 = arith.select %eq3A_178, %jit3A_179, %jit3A_177 : i32
      %rem3A_181 = arith.remsi %add3A_159, %select_n3A_180 : i32
      %ne3A_182 = arith.constant 0 : i32
      %ne3A_183 = arith.cmpi ne, %rem3A_181, %ne3A_182 : i32
      %lt3A_184 = arith.constant 0 : i32
      %lt3A_185 = arith.cmpi slt, %rem3A_181, %lt3A_184 : i32
      %lt3A_186 = arith.constant 0 : i32
      %lt3A_187 = arith.cmpi slt, %select_n3A_180, %lt3A_186 : i32
      %ne3A_188 = arith.xori %lt3A_185, %lt3A_187 : i1
      %and3A_189 = arith.andi %ne3A_188, %ne3A_183 : i1
      %add3A_190 = arith.addi %rem3A_181, %select_n3A_180 : i32
      %select_n3A_191 = arith.select %and3A_189, %add3A_190, %rem3A_181 : i32
      %jit3A_192 = arith.constant 8 : i32
      %div3A_193 = arith.divsi %select_n3A, %jit3A_192 : i32
      %sign3A_194 = arith.constant 0 : i32
      %sign3A_195 = arith.cmpi sgt, %select_n3A, %sign3A_194 : i32
      %sign3A_196 = arith.extui %sign3A_195 : i1 to i32
      %sign3A_197 = arith.constant 0 : i32
      %sign3A_198 = arith.cmpi slt, %select_n3A, %sign3A_197 : i32
      %sign3A_199 = arith.extui %sign3A_198 : i1 to i32
      %sign3A_200 = arith.subi %sign3A_196, %sign3A_199 : i32
      %sign3A_201 = arith.constant 0 : i32
      %sign3A_202 = arith.cmpi sgt, %jit3A_192, %sign3A_201 : i32
      %sign3A_203 = arith.extui %sign3A_202 : i1 to i32
      %sign3A_204 = arith.constant 0 : i32
      %sign3A_205 = arith.cmpi slt, %jit3A_192, %sign3A_204 : i32
      %sign3A_206 = arith.extui %sign3A_205 : i1 to i32
      %sign3A_207 = arith.subi %sign3A_203, %sign3A_206 : i32
      %ne3A_208 = arith.cmpi ne, %sign3A_200, %sign3A_207 : i32
      %rem3A_209 = arith.remsi %select_n3A, %jit3A_192 : i32
      %ne3A_210 = arith.constant 0 : i32
      %ne3A_211 = arith.cmpi ne, %rem3A_209, %ne3A_210 : i32
      %and3A_212 = arith.andi %ne3A_208, %ne3A_211 : i1
      %sub3A_213 = arith.constant 1 : i32
      %sub3A_214 = arith.subi %div3A_193, %sub3A_213 : i32
      %select_n3A_215 = arith.select %and3A_212, %sub3A_214, %div3A_193 : i32
      %lt3A_216 = arith.constant 48 : i32
      %lt3A_217 = arith.cmpi slt, %select_n3A, %lt3A_216 : i32
      %ge3A = arith.constant 3 : i32
      %ge3A_218 = arith.cmpi sge, %select_n3A_215, %ge3A : i32
      %jit3A_219 = arith.constant 1 : i32
      %jit3A_220 = arith.constant 0 : i32
      %select_n3A_221 = arith.select %ge3A_218, %jit3A_219, %jit3A_220 : i32
      %add3A_222 = arith.addi %select_n3A_215, %select_n3A_221 : i32
      %lt3A_223 = arith.constant 54 : i32
      %lt3A_224 = arith.cmpi slt, %select_n3A, %lt3A_223 : i32
      %jit3A_225 = arith.constant 3 : i32
      %jit3A_226 = arith.constant 7 : i32
      %select_n3A_227 = arith.select %lt3A_224, %jit3A_225, %jit3A_226 : i32
      %select_n3A_228 = arith.select %lt3A_217, %add3A_222, %select_n3A_227 : i32
      %lt3A_229 = arith.constant 48 : i32
      %lt3A_230 = arith.cmpi slt, %select_n3A, %lt3A_229 : i32
      %jit3A_231 = arith.constant 8 : i32
      %eq3A_232 = arith.constant 0 : i32
      %eq3A_233 = arith.cmpi eq, %jit3A_231, %eq3A_232 : i32
      %jit3A_234 = arith.constant 1 : i32
      %select_n3A_235 = arith.select %eq3A_233, %jit3A_234, %jit3A_231 : i32
      %rem3A_236 = arith.remsi %select_n3A, %select_n3A_235 : i32
      %ne3A_237 = arith.constant 0 : i32
      %ne3A_238 = arith.cmpi ne, %rem3A_236, %ne3A_237 : i32
      %lt3A_239 = arith.constant 0 : i32
      %lt3A_240 = arith.cmpi slt, %rem3A_236, %lt3A_239 : i32
      %lt3A_241 = arith.constant 0 : i32
      %lt3A_242 = arith.cmpi slt, %select_n3A_235, %lt3A_241 : i32
      %ne3A_243 = arith.xori %lt3A_240, %lt3A_242 : i1
      %and3A_244 = arith.andi %ne3A_243, %ne3A_238 : i1
      %add3A_245 = arith.addi %rem3A_236, %select_n3A_235 : i32
      %select_n3A_246 = arith.select %and3A_244, %add3A_245, %rem3A_236 : i32
      %lt3A_247 = arith.constant 54 : i32
      %lt3A_248 = arith.cmpi slt, %select_n3A, %lt3A_247 : i32
      %sub3A_249 = arith.constant 48 : i32
      %sub3A_250 = arith.subi %select_n3A, %sub3A_249 : i32
      %sub3A_251 = arith.constant 54 : i32
      %sub3A_252 = arith.subi %select_n3A, %sub3A_251 : i32
      %select_n3A_253 = arith.select %lt3A_248, %sub3A_250, %sub3A_252 : i32
      %select_n3A_254 = arith.select %lt3A_230, %select_n3A_246, %select_n3A_253 : i32
      %mul3A_255 = arith.constant 64 : i32
      %mul3A_256 = arith.muli %mul3A_255, %select_n3A_191 : i32
      %multiple_of3A_257 = tpu.assume_multiple %mul3A_256, 64 : i32
      %mul3A_258 = arith.constant 64 : i32
      %mul3A_259 = arith.muli %mul3A_258, %select_n3A_254 : i32
      %add3A_260 = arith.constant 56 : i32
      %add3A_261 = arith.addi %mul3A_259, %add3A_260 : i32
      %add3A_262 = arith.addi %add3A_261, %select_n3A_228 : i32
      %add3A_263 = arith.constant 1000 : i32
      %add3A_264 = arith.addi %add3A_262, %add3A_263 : i32
      %sub3A_265 = arith.constant 480 : i32
      %sub3A_266 = arith.subi %add3A_264, %sub3A_265 : i32
      %sub3A_267 = arith.subi %sub3A_266, %multiple_of3A_257 : i32
      %gt3A = arith.constant 0 : i32
      %gt3A_268 = arith.cmpi sgt, %scan3A_156, %gt3A : i32
      %convert_element_type3A_269 = arith.extui %gt3A_268 : i1 to i32
      %cond3A_270 = arith.constant 0 : i32
      %cond3A_271 = arith.cmpi ne, %convert_element_type3A_269, %cond3A_270 : i32
      scf.if %cond3A_271 {
        %dma_wait3A_484 = arith.constant 0 : i32
        %dma_wait3A_485 = arith.constant 0 : i32
        %dma_wait3A_486 = arith.constant 0 : i32
        %dma_wait3A_487 = tpu.memref_slice %arg6[%dma_wait3A_485, %dma_wait3A_486] : memref<128x768xf32, #tpu.memory_space<vmem>> -> memref<64x768xf32, #tpu.memory_space<vmem>>
        %dma_wait3A_488 = arith.constant 0 : i32
        %dma_wait3A_489 = arith.constant 0 : i32
        %dma_wait3A_490 = tpu.memref_slice %arg3[%dma_wait3A_484, %dma_wait3A_488, %dma_wait3A_489] : memref<512x512x768xf32, #tpu.memory_space<hbm>> -> memref<1x64x768xf32, #tpu.memory_space<hbm>>
        %dma_wait3A_491 = tpu.memref_squeeze %dma_wait3A_490 : memref<1x64x768xf32, #tpu.memory_space<hbm>> -> memref<64x768xf32, #tpu.memory_space<hbm>>
        %dma_wait3A_492 = arith.constant 0 : i32
        %dma_wait3A_493 = arith.constant 0 : i32
        %dma_wait3A_494 = tpu.memref_slice %arg3[%dma_wait3A_484, %dma_wait3A_492, %dma_wait3A_493] : memref<512x512x768xf32, #tpu.memory_space<hbm>> -> memref<1x64x768xf32, #tpu.memory_space<hbm>>
        %dma_wait3A_495 = tpu.memref_squeeze %dma_wait3A_494 : memref<1x64x768xf32, #tpu.memory_space<hbm>> -> memref<64x768xf32, #tpu.memory_space<hbm>>
        %dma_wait3A_496 = arith.constant 0 : i32
        %dma_wait3A_497 = arith.constant 0 : i32
        %dma_wait3A_498 = tpu.memref_slice %arg6[%dma_wait3A_496, %dma_wait3A_497] : memref<128x768xf32, #tpu.memory_space<vmem>> -> memref<64x768xf32, #tpu.memory_space<vmem>>
        tpu.wait_dma2 semaphore(%arg9 : memref<!tpu.dma_semaphore, #tpu.memory_space<semaphore_mem>>) src(%dma_wait3A_498 : memref<64x768xf32, #tpu.memory_space<vmem>>) dst(%dma_wait3A_495 : memref<64x768xf32, #tpu.memory_space<hbm>>)
        %dma_wait3A_499 = arith.constant 0 : i32
        %dma_wait3A_500 = arith.constant 0 : i32
        %dma_wait3A_501 = arith.constant 0 : i32
        %dma_wait3A_502 = tpu.memref_slice %arg6[%dma_wait3A_500, %dma_wait3A_501] : memref<128x768xf32, #tpu.memory_space<vmem>> -> memref<64x768xf32, #tpu.memory_space<vmem>>
        %dma_wait3A_503 = arith.constant 0 : i32
        %dma_wait3A_504 = arith.constant 0 : i32
        %dma_wait3A_505 = tpu.memref_slice %arg3[%dma_wait3A_499, %dma_wait3A_503, %dma_wait3A_504] : memref<512x512x768xf32, #tpu.memory_space<hbm>> -> memref<1x64x768xf32, #tpu.memory_space<hbm>>
        %dma_wait3A_506 = tpu.memref_squeeze %dma_wait3A_505 : memref<1x64x768xf32, #tpu.memory_space<hbm>> -> memref<64x768xf32, #tpu.memory_space<hbm>>
        %dma_wait3A_507 = arith.constant 0 : i32
        %dma_wait3A_508 = arith.constant 0 : i32
        %dma_wait3A_509 = tpu.memref_slice %arg3[%dma_wait3A_499, %dma_wait3A_507, %dma_wait3A_508] : memref<512x512x768xf32, #tpu.memory_space<hbm>> -> memref<1x64x768xf32, #tpu.memory_space<hbm>>
        %dma_wait3A_510 = tpu.memref_squeeze %dma_wait3A_509 : memref<1x64x768xf32, #tpu.memory_space<hbm>> -> memref<64x768xf32, #tpu.memory_space<hbm>>
        %dma_wait3A_511 = arith.constant 0 : i32
        %dma_wait3A_512 = arith.constant 0 : i32
        %dma_wait3A_513 = tpu.memref_slice %arg6[%dma_wait3A_511, %dma_wait3A_512] : memref<128x768xf32, #tpu.memory_space<vmem>> -> memref<64x768xf32, #tpu.memory_space<vmem>>
        tpu.wait_dma2 semaphore(%arg9 : memref<!tpu.dma_semaphore, #tpu.memory_space<semaphore_mem>>) src(%dma_wait3A_513 : memref<64x768xf32, #tpu.memory_space<vmem>>) dst(%dma_wait3A_510 : memref<64x768xf32, #tpu.memory_space<hbm>>)
        %dma_wait3A_514 = arith.constant 0 : i32
        %dma_wait3A_515 = arith.constant 0 : i32
        %dma_wait3A_516 = arith.constant 0 : i32
        %dma_wait3A_517 = tpu.memref_slice %arg6[%dma_wait3A_515, %dma_wait3A_516] : memref<128x768xf32, #tpu.memory_space<vmem>> -> memref<64x768xf32, #tpu.memory_space<vmem>>
        %dma_wait3A_518 = arith.constant 0 : i32
        %dma_wait3A_519 = arith.constant 0 : i32
        %dma_wait3A_520 = tpu.memref_slice %arg3[%dma_wait3A_514, %dma_wait3A_518, %dma_wait3A_519] : memref<512x512x768xf32, #tpu.memory_space<hbm>> -> memref<1x64x768xf32, #tpu.memory_space<hbm>>
        %dma_wait3A_521 = tpu.memref_squeeze %dma_wait3A_520 : memref<1x64x768xf32, #tpu.memory_space<hbm>> -> memref<64x768xf32, #tpu.memory_space<hbm>>
        %dma_wait3A_522 = arith.constant 0 : i32
        %dma_wait3A_523 = arith.constant 0 : i32
        %dma_wait3A_524 = tpu.memref_slice %arg3[%dma_wait3A_514, %dma_wait3A_522, %dma_wait3A_523] : memref<512x512x768xf32, #tpu.memory_space<hbm>> -> memref<1x64x768xf32, #tpu.memory_space<hbm>>
        %dma_wait3A_525 = tpu.memref_squeeze %dma_wait3A_524 : memref<1x64x768xf32, #tpu.memory_space<hbm>> -> memref<64x768xf32, #tpu.memory_space<hbm>>
        %dma_wait3A_526 = arith.constant 0 : i32
        %dma_wait3A_527 = arith.constant 0 : i32
        %dma_wait3A_528 = tpu.memref_slice %arg6[%dma_wait3A_526, %dma_wait3A_527] : memref<128x768xf32, #tpu.memory_space<vmem>> -> memref<64x768xf32, #tpu.memory_space<vmem>>
        tpu.wait_dma2 semaphore(%arg9 : memref<!tpu.dma_semaphore, #tpu.memory_space<semaphore_mem>>) src(%dma_wait3A_528 : memref<64x768xf32, #tpu.memory_space<vmem>>) dst(%dma_wait3A_525 : memref<64x768xf32, #tpu.memory_space<hbm>>)
        %dma_wait3A_529 = arith.constant 0 : i32
        %dma_wait3A_530 = arith.constant 0 : i32
        %dma_wait3A_531 = arith.constant 0 : i32
        %dma_wait3A_532 = tpu.memref_slice %arg6[%dma_wait3A_530, %dma_wait3A_531] : memref<128x768xf32, #tpu.memory_space<vmem>> -> memref<64x768xf32, #tpu.memory_space<vmem>>
        %dma_wait3A_533 = arith.constant 0 : i32
        %dma_wait3A_534 = arith.constant 0 : i32
        %dma_wait3A_535 = tpu.memref_slice %arg3[%dma_wait3A_529, %dma_wait3A_533, %dma_wait3A_534] : memref<512x512x768xf32, #tpu.memory_space<hbm>> -> memref<1x64x768xf32, #tpu.memory_space<hbm>>
        %dma_wait3A_536 = tpu.memref_squeeze %dma_wait3A_535 : memref<1x64x768xf32, #tpu.memory_space<hbm>> -> memref<64x768xf32, #tpu.memory_space<hbm>>
        %dma_wait3A_537 = arith.constant 0 : i32
        %dma_wait3A_538 = arith.constant 0 : i32
        %dma_wait3A_539 = tpu.memref_slice %arg3[%dma_wait3A_529, %dma_wait3A_537, %dma_wait3A_538] : memref<512x512x768xf32, #tpu.memory_space<hbm>> -> memref<1x64x768xf32, #tpu.memory_space<hbm>>
        %dma_wait3A_540 = tpu.memref_squeeze %dma_wait3A_539 : memref<1x64x768xf32, #tpu.memory_space<hbm>> -> memref<64x768xf32, #tpu.memory_space<hbm>>
        %dma_wait3A_541 = arith.constant 0 : i32
        %dma_wait3A_542 = arith.constant 0 : i32
        %dma_wait3A_543 = tpu.memref_slice %arg6[%dma_wait3A_541, %dma_wait3A_542] : memref<128x768xf32, #tpu.memory_space<vmem>> -> memref<64x768xf32, #tpu.memory_space<vmem>>
        tpu.wait_dma2 semaphore(%arg9 : memref<!tpu.dma_semaphore, #tpu.memory_space<semaphore_mem>>) src(%dma_wait3A_543 : memref<64x768xf32, #tpu.memory_space<vmem>>) dst(%dma_wait3A_540 : memref<64x768xf32, #tpu.memory_space<hbm>>)
        %dma_wait3A_544 = arith.constant 0 : i32
        %dma_wait3A_545 = arith.constant 0 : i32
        %dma_wait3A_546 = arith.constant 0 : i32
        %dma_wait3A_547 = tpu.memref_slice %arg6[%dma_wait3A_545, %dma_wait3A_546] : memref<128x768xf32, #tpu.memory_space<vmem>> -> memref<64x768xf32, #tpu.memory_space<vmem>>
        %dma_wait3A_548 = arith.constant 0 : i32
        %dma_wait3A_549 = arith.constant 0 : i32
        %dma_wait3A_550 = tpu.memref_slice %arg3[%dma_wait3A_544, %dma_wait3A_548, %dma_wait3A_549] : memref<512x512x768xf32, #tpu.memory_space<hbm>> -> memref<1x64x768xf32, #tpu.memory_space<hbm>>
        %dma_wait3A_551 = tpu.memref_squeeze %dma_wait3A_550 : memref<1x64x768xf32, #tpu.memory_space<hbm>> -> memref<64x768xf32, #tpu.memory_space<hbm>>
        %dma_wait3A_552 = arith.constant 0 : i32
        %dma_wait3A_553 = arith.constant 0 : i32
        %dma_wait3A_554 = tpu.memref_slice %arg3[%dma_wait3A_544, %dma_wait3A_552, %dma_wait3A_553] : memref<512x512x768xf32, #tpu.memory_space<hbm>> -> memref<1x64x768xf32, #tpu.memory_space<hbm>>
        %dma_wait3A_555 = tpu.memref_squeeze %dma_wait3A_554 : memref<1x64x768xf32, #tpu.memory_space<hbm>> -> memref<64x768xf32, #tpu.memory_space<hbm>>
        %dma_wait3A_556 = arith.constant 0 : i32
        %dma_wait3A_557 = arith.constant 0 : i32
        %dma_wait3A_558 = tpu.memref_slice %arg6[%dma_wait3A_556, %dma_wait3A_557] : memref<128x768xf32, #tpu.memory_space<vmem>> -> memref<64x768xf32, #tpu.memory_space<vmem>>
        tpu.wait_dma2 semaphore(%arg9 : memref<!tpu.dma_semaphore, #tpu.memory_space<semaphore_mem>>) src(%dma_wait3A_558 : memref<64x768xf32, #tpu.memory_space<vmem>>) dst(%dma_wait3A_555 : memref<64x768xf32, #tpu.memory_space<hbm>>)
        %dma_wait3A_559 = arith.constant 0 : i32
        %dma_wait3A_560 = arith.constant 0 : i32
        %dma_wait3A_561 = arith.constant 0 : i32
        %dma_wait3A_562 = tpu.memref_slice %arg6[%dma_wait3A_560, %dma_wait3A_561] : memref<128x768xf32, #tpu.memory_space<vmem>> -> memref<64x768xf32, #tpu.memory_space<vmem>>
        %dma_wait3A_563 = arith.constant 0 : i32
        %dma_wait3A_564 = arith.constant 0 : i32
        %dma_wait3A_565 = tpu.memref_slice %arg3[%dma_wait3A_559, %dma_wait3A_563, %dma_wait3A_564] : memref<512x512x768xf32, #tpu.memory_space<hbm>> -> memref<1x64x768xf32, #tpu.memory_space<hbm>>
        %dma_wait3A_566 = tpu.memref_squeeze %dma_wait3A_565 : memref<1x64x768xf32, #tpu.memory_space<hbm>> -> memref<64x768xf32, #tpu.memory_space<hbm>>
        %dma_wait3A_567 = arith.constant 0 : i32
        %dma_wait3A_568 = arith.constant 0 : i32
        %dma_wait3A_569 = tpu.memref_slice %arg3[%dma_wait3A_559, %dma_wait3A_567, %dma_wait3A_568] : memref<512x512x768xf32, #tpu.memory_space<hbm>> -> memref<1x64x768xf32, #tpu.memory_space<hbm>>
        %dma_wait3A_570 = tpu.memref_squeeze %dma_wait3A_569 : memref<1x64x768xf32, #tpu.memory_space<hbm>> -> memref<64x768xf32, #tpu.memory_space<hbm>>
        %dma_wait3A_571 = arith.constant 0 : i32
        %dma_wait3A_572 = arith.constant 0 : i32
        %dma_wait3A_573 = tpu.memref_slice %arg6[%dma_wait3A_571, %dma_wait3A_572] : memref<128x768xf32, #tpu.memory_space<vmem>> -> memref<64x768xf32, #tpu.memory_space<vmem>>
        tpu.wait_dma2 semaphore(%arg9 : memref<!tpu.dma_semaphore, #tpu.memory_space<semaphore_mem>>) src(%dma_wait3A_573 : memref<64x768xf32, #tpu.memory_space<vmem>>) dst(%dma_wait3A_570 : memref<64x768xf32, #tpu.memory_space<hbm>>)
        %dma_wait3A_574 = arith.constant 0 : i32
        %dma_wait3A_575 = arith.constant 0 : i32
        %dma_wait3A_576 = arith.constant 0 : i32
        %dma_wait3A_577 = tpu.memref_slice %arg6[%dma_wait3A_575, %dma_wait3A_576] : memref<128x768xf32, #tpu.memory_space<vmem>> -> memref<64x768xf32, #tpu.memory_space<vmem>>
        %dma_wait3A_578 = arith.constant 0 : i32
        %dma_wait3A_579 = arith.constant 0 : i32
        %dma_wait3A_580 = tpu.memref_slice %arg3[%dma_wait3A_574, %dma_wait3A_578, %dma_wait3A_579] : memref<512x512x768xf32, #tpu.memory_space<hbm>> -> memref<1x64x768xf32, #tpu.memory_space<hbm>>
        %dma_wait3A_581 = tpu.memref_squeeze %dma_wait3A_580 : memref<1x64x768xf32, #tpu.memory_space<hbm>> -> memref<64x768xf32, #tpu.memory_space<hbm>>
        %dma_wait3A_582 = arith.constant 0 : i32
        %dma_wait3A_583 = arith.constant 0 : i32
        %dma_wait3A_584 = tpu.memref_slice %arg3[%dma_wait3A_574, %dma_wait3A_582, %dma_wait3A_583] : memref<512x512x768xf32, #tpu.memory_space<hbm>> -> memref<1x64x768xf32, #tpu.memory_space<hbm>>
        %dma_wait3A_585 = tpu.memref_squeeze %dma_wait3A_584 : memref<1x64x768xf32, #tpu.memory_space<hbm>> -> memref<64x768xf32, #tpu.memory_space<hbm>>
        %dma_wait3A_586 = arith.constant 0 : i32
        %dma_wait3A_587 = arith.constant 0 : i32
        %dma_wait3A_588 = tpu.memref_slice %arg6[%dma_wait3A_586, %dma_wait3A_587] : memref<128x768xf32, #tpu.memory_space<vmem>> -> memref<64x768xf32, #tpu.memory_space<vmem>>
        tpu.wait_dma2 semaphore(%arg9 : memref<!tpu.dma_semaphore, #tpu.memory_space<semaphore_mem>>) src(%dma_wait3A_588 : memref<64x768xf32, #tpu.memory_space<vmem>>) dst(%dma_wait3A_585 : memref<64x768xf32, #tpu.memory_space<hbm>>)
        %dma_wait3A_589 = arith.constant 0 : i32
        %dma_wait3A_590 = arith.constant 0 : i32
        %dma_wait3A_591 = arith.constant 0 : i32
        %dma_wait3A_592 = tpu.memref_slice %arg6[%dma_wait3A_590, %dma_wait3A_591] : memref<128x768xf32, #tpu.memory_space<vmem>> -> memref<64x768xf32, #tpu.memory_space<vmem>>
        %dma_wait3A_593 = arith.constant 0 : i32
        %dma_wait3A_594 = arith.constant 0 : i32
        %dma_wait3A_595 = tpu.memref_slice %arg3[%dma_wait3A_589, %dma_wait3A_593, %dma_wait3A_594] : memref<512x512x768xf32, #tpu.memory_space<hbm>> -> memref<1x64x768xf32, #tpu.memory_space<hbm>>
        %dma_wait3A_596 = tpu.memref_squeeze %dma_wait3A_595 : memref<1x64x768xf32, #tpu.memory_space<hbm>> -> memref<64x768xf32, #tpu.memory_space<hbm>>
        %dma_wait3A_597 = arith.constant 0 : i32
        %dma_wait3A_598 = arith.constant 0 : i32
        %dma_wait3A_599 = tpu.memref_slice %arg3[%dma_wait3A_589, %dma_wait3A_597, %dma_wait3A_598] : memref<512x512x768xf32, #tpu.memory_space<hbm>> -> memref<1x64x768xf32, #tpu.memory_space<hbm>>
        %dma_wait3A_600 = tpu.memref_squeeze %dma_wait3A_599 : memref<1x64x768xf32, #tpu.memory_space<hbm>> -> memref<64x768xf32, #tpu.memory_space<hbm>>
        %dma_wait3A_601 = arith.constant 0 : i32
        %dma_wait3A_602 = arith.constant 0 : i32
        %dma_wait3A_603 = tpu.memref_slice %arg6[%dma_wait3A_601, %dma_wait3A_602] : memref<128x768xf32, #tpu.memory_space<vmem>> -> memref<64x768xf32, #tpu.memory_space<vmem>>
        tpu.wait_dma2 semaphore(%arg9 : memref<!tpu.dma_semaphore, #tpu.memory_space<semaphore_mem>>) src(%dma_wait3A_603 : memref<64x768xf32, #tpu.memory_space<vmem>>) dst(%dma_wait3A_600 : memref<64x768xf32, #tpu.memory_space<hbm>>)
      } else {
      }
      %sub3A_272 = arith.constant 0 : i32
      %sub3A_273 = arith.subi %sub3A_267, %sub3A_272 : i32
      %iota3A = tpu.iota {dimensions = array<i32: 0>} : vector<16xi32>
      %sub3A_274 = vector.broadcast %sub3A_273 : i32 to vector<16xi32>
      %sub3A_275 = arith.subi %sub3A_274, %iota3A : vector<16xi32>
      %swap3A = arith.constant 0 : index
      %swap3A_276 = tpu.vector_load %arg5[%swap3A] {strides = array<i32>} : memref<128xi32, #tpu.memory_space<vmem>>, vector<16xi32>,
      %swap3A_277 = vector.shape_cast %swap3A_276 : vector<16xi32> to vector<16xi32>
      %swap3A_278 = vector.shape_cast %sub3A_275 : vector<16xi32> to vector<16xi32>
      tpu.vector_store %arg5[%swap3A], %swap3A_278 {strides = array<i32>} : memref<128xi32, #tpu.memory_space<vmem>>, vector<16xi32>,
      %sub3A_279 = arith.constant 16 : i32
      %sub3A_280 = arith.subi %sub3A_267, %sub3A_279 : i32
      %iota3A_281 = tpu.iota {dimensions = array<i32: 0>} : vector<16xi32>
      %sub3A_282 = vector.broadcast %sub3A_280 : i32 to vector<16xi32>
      %sub3A_283 = arith.subi %sub3A_282, %iota3A_281 : vector<16xi32>
      %swap3A_284 = arith.constant 16 : index
      %swap3A_285 = tpu.vector_load %arg5[%swap3A_284] {strides = array<i32>} : memref<128xi32, #tpu.memory_space<vmem>>, vector<16xi32>,
      %swap3A_286 = vector.shape_cast %swap3A_285 : vector<16xi32> to vector<16xi32>
      %swap3A_287 = vector.shape_cast %sub3A_283 : vector<16xi32> to vector<16xi32>
      tpu.vector_store %arg5[%swap3A_284], %swap3A_287 {strides = array<i32>} : memref<128xi32, #tpu.memory_space<vmem>>, vector<16xi32>,
      %sub3A_288 = arith.constant 32 : i32
      %sub3A_289 = arith.subi %sub3A_267, %sub3A_288 : i32
      %iota3A_290 = tpu.iota {dimensions = array<i32: 0>} : vector<16xi32>
      %sub3A_291 = vector.broadcast %sub3A_289 : i32 to vector<16xi32>
      %sub3A_292 = arith.subi %sub3A_291, %iota3A_290 : vector<16xi32>
      %swap3A_293 = arith.constant 32 : index
      %swap3A_294 = tpu.vector_load %arg5[%swap3A_293] {strides = array<i32>} : memref<128xi32, #tpu.memory_space<vmem>>, vector<16xi32>,
      %swap3A_295 = vector.shape_cast %swap3A_294 : vector<16xi32> to vector<16xi32>
      %swap3A_296 = vector.shape_cast %sub3A_292 : vector<16xi32> to vector<16xi32>
      tpu.vector_store %arg5[%swap3A_293], %swap3A_296 {strides = array<i32>} : memref<128xi32, #tpu.memory_space<vmem>>, vector<16xi32>,
      %sub3A_297 = arith.constant 48 : i32
      %sub3A_298 = arith.subi %sub3A_267, %sub3A_297 : i32
      %iota3A_299 = tpu.iota {dimensions = array<i32: 0>} : vector<16xi32>
      %sub3A_300 = vector.broadcast %sub3A_298 : i32 to vector<16xi32>
      %sub3A_301 = arith.subi %sub3A_300, %iota3A_299 : vector<16xi32>
      %swap3A_302 = arith.constant 48 : index
      %swap3A_303 = tpu.vector_load %arg5[%swap3A_302] {strides = array<i32>} : memref<128xi32, #tpu.memory_space<vmem>>, vector<16xi32>,
      %swap3A_304 = vector.shape_cast %swap3A_303 : vector<16xi32> to vector<16xi32>
      %swap3A_305 = vector.shape_cast %sub3A_301 : vector<16xi32> to vector<16xi32>
      tpu.vector_store %arg5[%swap3A_302], %swap3A_305 {strides = array<i32>} : memref<128xi32, #tpu.memory_space<vmem>>, vector<16xi32>,
      %sub3A_306 = arith.constant 64 : i32
      %sub3A_307 = arith.subi %sub3A_267, %sub3A_306 : i32
      %iota3A_308 = tpu.iota {dimensions = array<i32: 0>} : vector<16xi32>
      %sub3A_309 = vector.broadcast %sub3A_307 : i32 to vector<16xi32>
      %sub3A_310 = arith.subi %sub3A_309, %iota3A_308 : vector<16xi32>
      %swap3A_311 = arith.constant 64 : index
      %swap3A_312 = tpu.vector_load %arg5[%swap3A_311] {strides = array<i32>} : memref<128xi32, #tpu.memory_space<vmem>>, vector<16xi32>,
      %swap3A_313 = vector.shape_cast %swap3A_312 : vector<16xi32> to vector<16xi32>
      %swap3A_314 = vector.shape_cast %sub3A_310 : vector<16xi32> to vector<16xi32>
      tpu.vector_store %arg5[%swap3A_311], %swap3A_314 {strides = array<i32>} : memref<128xi32, #tpu.memory_space<vmem>>, vector<16xi32>,
      %sub3A_315 = arith.constant 80 : i32
      %sub3A_316 = arith.subi %sub3A_267, %sub3A_315 : i32
      %iota3A_317 = tpu.iota {dimensions = array<i32: 0>} : vector<16xi32>
      %sub3A_318 = vector.broadcast %sub3A_316 : i32 to vector<16xi32>
      %sub3A_319 = arith.subi %sub3A_318, %iota3A_317 : vector<16xi32>
      %swap3A_320 = arith.constant 80 : index
      %swap3A_321 = tpu.vector_load %arg5[%swap3A_320] {strides = array<i32>} : memref<128xi32, #tpu.memory_space<vmem>>, vector<16xi32>,
      %swap3A_322 = vector.shape_cast %swap3A_321 : vector<16xi32> to vector<16xi32>
      %swap3A_323 = vector.shape_cast %sub3A_319 : vector<16xi32> to vector<16xi32>
      tpu.vector_store %arg5[%swap3A_320], %swap3A_323 {strides = array<i32>} : memref<128xi32, #tpu.memory_space<vmem>>, vector<16xi32>,
      %sub3A_324 = arith.constant 96 : i32
      %sub3A_325 = arith.subi %sub3A_267, %sub3A_324 : i32
      %iota3A_326 = tpu.iota {dimensions = array<i32: 0>} : vector<16xi32>
      %sub3A_327 = vector.broadcast %sub3A_325 : i32 to vector<16xi32>
      %sub3A_328 = arith.subi %sub3A_327, %iota3A_326 : vector<16xi32>
      %swap3A_329 = arith.constant 96 : index
      %swap3A_330 = tpu.vector_load %arg5[%swap3A_329] {strides = array<i32>} : memref<128xi32, #tpu.memory_space<vmem>>, vector<16xi32>,
      %swap3A_331 = vector.shape_cast %swap3A_330 : vector<16xi32> to vector<16xi32>
      %swap3A_332 = vector.shape_cast %sub3A_328 : vector<16xi32> to vector<16xi32>
      tpu.vector_store %arg5[%swap3A_329], %swap3A_332 {strides = array<i32>} : memref<128xi32, #tpu.memory_space<vmem>>, vector<16xi32>,
      %sub3A_333 = arith.constant 112 : i32
      %sub3A_334 = arith.subi %sub3A_267, %sub3A_333 : i32
      %iota3A_335 = tpu.iota {dimensions = array<i32: 0>} : vector<16xi32>
      %sub3A_336 = vector.broadcast %sub3A_334 : i32 to vector<16xi32>
      %sub3A_337 = arith.subi %sub3A_336, %iota3A_335 : vector<16xi32>
      %swap3A_338 = arith.constant 112 : index
      %swap3A_339 = tpu.vector_load %arg5[%swap3A_338] {strides = array<i32>} : memref<128xi32, #tpu.memory_space<vmem>>, vector<16xi32>,
      %swap3A_340 = vector.shape_cast %swap3A_339 : vector<16xi32> to vector<16xi32>
      %swap3A_341 = vector.shape_cast %sub3A_337 : vector<16xi32> to vector<16xi32>
      tpu.vector_store %arg5[%swap3A_338], %swap3A_341 {strides = array<i32>} : memref<128xi32, #tpu.memory_space<vmem>>, vector<16xi32>,
      %dma_start3A_342 = arith.constant 0 : i32
      %dma_start3A_343 = arith.constant 0 : i32
      %dma_start3A_344 = tpu.memref_slice %arg2[%dma_start3A_342, %dma_start3A_343] : memref<1032x768xf32, #tpu.memory_space<hbm>> -> memref<1032x768xf32, #tpu.memory_space<hbm>>
      tpu.enqueue_indirect_dma source(%dma_start3A_344 : memref<1032x768xf32, #tpu.memory_space<hbm>>) target(%arg6 : memref<128x768xf32, #tpu.memory_space<vmem>>) offsets(%arg5 : memref<128xi32, #tpu.memory_space<vmem>>) semaphore(%arg8 : memref<!tpu.dma_semaphore, #tpu.memory_space<semaphore_mem>>)
      %dma_wait3A_345 = arith.constant 0 : i32
      %dma_wait3A_346 = arith.constant 0 : i32
      %dma_wait3A_347 = tpu.memref_slice %arg2[%dma_wait3A_345, %dma_wait3A_346] : memref<1032x768xf32, #tpu.memory_space<hbm>> -> memref<1032x768xf32, #tpu.memory_space<hbm>>
      tpu.wait_indirect_dma semaphore(%arg8 : memref<!tpu.dma_semaphore, #tpu.memory_space<semaphore_mem>>) src(%dma_wait3A_347 : memref<1032x768xf32, #tpu.memory_space<hbm>>) dst(%arg6 : memref<128x768xf32, #tpu.memory_space<vmem>>)
      %mul3A_348 = arith.constant 64 : i32
      %mul3A_349 = arith.muli %mul3A_348, %select_n3A_254 : i32
      %add3A_350 = arith.constant 0 : i32
      %add3A_351 = arith.addi %mul3A_349, %add3A_350 : i32
      %add3A_352 = arith.addi %add3A_351, %select_n3A_228 : i32
      %dma_start3A_353 = arith.constant 56 : i32
      %dma_start3A_354 = arith.constant 0 : i32
      %dma_start3A_355 = tpu.memref_slice %arg6[%dma_start3A_353, %dma_start3A_354] : memref<128x768xf32, #tpu.memory_space<vmem>> -> memref<64x768xf32, #tpu.memory_space<vmem>>
      %dma_start3A_356 = arith.constant 0 : i32
      %dma_start3A_357 = tpu.memref_slice %arg3[%add3A_352, %multiple_of3A_257, %dma_start3A_356] : memref<512x512x768xf32, #tpu.memory_space<hbm>> -> memref<1x64x768xf32, #tpu.memory_space<hbm>>
      %dma_start3A_358 = tpu.memref_squeeze %dma_start3A_357 : memref<1x64x768xf32, #tpu.memory_space<hbm>> -> memref<64x768xf32, #tpu.memory_space<hbm>>
      %dma_start3A_359 = arith.constant 0 : i32
      %dma_start3A_360 = tpu.memref_slice %arg3[%add3A_352, %multiple_of3A_257, %dma_start3A_359] : memref<512x512x768xf32, #tpu.memory_space<hbm>> -> memref<1x64x768xf32, #tpu.memory_space<hbm>>
      %dma_start3A_361 = tpu.memref_squeeze %dma_start3A_360 : memref<1x64x768xf32, #tpu.memory_space<hbm>> -> memref<64x768xf32, #tpu.memory_space<hbm>>
      %dma_start3A_362 = arith.constant 56 : i32
      %dma_start3A_363 = arith.constant 0 : i32
      %dma_start3A_364 = tpu.memref_slice %arg6[%dma_start3A_362, %dma_start3A_363] : memref<128x768xf32, #tpu.memory_space<vmem>> -> memref<64x768xf32, #tpu.memory_space<vmem>>
      tpu.enqueue_dma source(%dma_start3A_364 : memref<64x768xf32, #tpu.memory_space<vmem>>) target(%dma_start3A_361 : memref<64x768xf32, #tpu.memory_space<hbm>>) target_semaphore(%arg9 : memref<!tpu.dma_semaphore, #tpu.memory_space<semaphore_mem>>)
      %mul3A_365 = arith.constant 64 : i32
      %mul3A_366 = arith.muli %mul3A_365, %select_n3A_254 : i32
      %add3A_367 = arith.constant 8 : i32
      %add3A_368 = arith.addi %mul3A_366, %add3A_367 : i32
      %add3A_369 = arith.addi %add3A_368, %select_n3A_228 : i32
      %dma_start3A_370 = arith.constant 48 : i32
      %dma_start3A_371 = arith.constant 0 : i32
      %dma_start3A_372 = tpu.memref_slice %arg6[%dma_start3A_370, %dma_start3A_371] : memref<128x768xf32, #tpu.memory_space<vmem>> -> memref<64x768xf32, #tpu.memory_space<vmem>>
      %dma_start3A_373 = arith.constant 0 : i32
      %dma_start3A_374 = tpu.memref_slice %arg3[%add3A_369, %multiple_of3A_257, %dma_start3A_373] : memref<512x512x768xf32, #tpu.memory_space<hbm>> -> memref<1x64x768xf32, #tpu.memory_space<hbm>>
      %dma_start3A_375 = tpu.memref_squeeze %dma_start3A_374 : memref<1x64x768xf32, #tpu.memory_space<hbm>> -> memref<64x768xf32, #tpu.memory_space<hbm>>
      %dma_start3A_376 = arith.constant 0 : i32
      %dma_start3A_377 = tpu.memref_slice %arg3[%add3A_369, %multiple_of3A_257, %dma_start3A_376] : memref<512x512x768xf32, #tpu.memory_space<hbm>> -> memref<1x64x768xf32, #tpu.memory_space<hbm>>
      %dma_start3A_378 = tpu.memref_squeeze %dma_start3A_377 : memref<1x64x768xf32, #tpu.memory_space<hbm>> -> memref<64x768xf32, #tpu.memory_space<hbm>>
      %dma_start3A_379 = arith.constant 48 : i32
      %dma_start3A_380 = arith.constant 0 : i32
      %dma_start3A_381 = tpu.memref_slice %arg6[%dma_start3A_379, %dma_start3A_380] : memref<128x768xf32, #tpu.memory_space<vmem>> -> memref<64x768xf32, #tpu.memory_space<vmem>>
      tpu.enqueue_dma source(%dma_start3A_381 : memref<64x768xf32, #tpu.memory_space<vmem>>) target(%dma_start3A_378 : memref<64x768xf32, #tpu.memory_space<hbm>>) target_semaphore(%arg9 : memref<!tpu.dma_semaphore, #tpu.memory_space<semaphore_mem>>)
      %mul3A_382 = arith.constant 64 : i32
      %mul3A_383 = arith.muli %mul3A_382, %select_n3A_254 : i32
      %add3A_384 = arith.constant 16 : i32
      %add3A_385 = arith.addi %mul3A_383, %add3A_384 : i32
      %add3A_386 = arith.addi %add3A_385, %select_n3A_228 : i32
      %dma_start3A_387 = arith.constant 40 : i32
      %dma_start3A_388 = arith.constant 0 : i32
      %dma_start3A_389 = tpu.memref_slice %arg6[%dma_start3A_387, %dma_start3A_388] : memref<128x768xf32, #tpu.memory_space<vmem>> -> memref<64x768xf32, #tpu.memory_space<vmem>>
      %dma_start3A_390 = arith.constant 0 : i32
      %dma_start3A_391 = tpu.memref_slice %arg3[%add3A_386, %multiple_of3A_257, %dma_start3A_390] : memref<512x512x768xf32, #tpu.memory_space<hbm>> -> memref<1x64x768xf32, #tpu.memory_space<hbm>>
      %dma_start3A_392 = tpu.memref_squeeze %dma_start3A_391 : memref<1x64x768xf32, #tpu.memory_space<hbm>> -> memref<64x768xf32, #tpu.memory_space<hbm>>
      %dma_start3A_393 = arith.constant 0 : i32
      %dma_start3A_394 = tpu.memref_slice %arg3[%add3A_386, %multiple_of3A_257, %dma_start3A_393] : memref<512x512x768xf32, #tpu.memory_space<hbm>> -> memref<1x64x768xf32, #tpu.memory_space<hbm>>
      %dma_start3A_395 = tpu.memref_squeeze %dma_start3A_394 : memref<1x64x768xf32, #tpu.memory_space<hbm>> -> memref<64x768xf32, #tpu.memory_space<hbm>>
      %dma_start3A_396 = arith.constant 40 : i32
      %dma_start3A_397 = arith.constant 0 : i32
      %dma_start3A_398 = tpu.memref_slice %arg6[%dma_start3A_396, %dma_start3A_397] : memref<128x768xf32, #tpu.memory_space<vmem>> -> memref<64x768xf32, #tpu.memory_space<vmem>>
      tpu.enqueue_dma source(%dma_start3A_398 : memref<64x768xf32, #tpu.memory_space<vmem>>) target(%dma_start3A_395 : memref<64x768xf32, #tpu.memory_space<hbm>>) target_semaphore(%arg9 : memref<!tpu.dma_semaphore, #tpu.memory_space<semaphore_mem>>)
      %mul3A_399 = arith.constant 64 : i32
      %mul3A_400 = arith.muli %mul3A_399, %select_n3A_254 : i32
      %add3A_401 = arith.constant 24 : i32
      %add3A_402 = arith.addi %mul3A_400, %add3A_401 : i32
      %add3A_403 = arith.addi %add3A_402, %select_n3A_228 : i32
      %dma_start3A_404 = arith.constant 32 : i32
      %dma_start3A_405 = arith.constant 0 : i32
      %dma_start3A_406 = tpu.memref_slice %arg6[%dma_start3A_404, %dma_start3A_405] : memref<128x768xf32, #tpu.memory_space<vmem>> -> memref<64x768xf32, #tpu.memory_space<vmem>>
      %dma_start3A_407 = arith.constant 0 : i32
      %dma_start3A_408 = tpu.memref_slice %arg3[%add3A_403, %multiple_of3A_257, %dma_start3A_407] : memref<512x512x768xf32, #tpu.memory_space<hbm>> -> memref<1x64x768xf32, #tpu.memory_space<hbm>>
      %dma_start3A_409 = tpu.memref_squeeze %dma_start3A_408 : memref<1x64x768xf32, #tpu.memory_space<hbm>> -> memref<64x768xf32, #tpu.memory_space<hbm>>
      %dma_start3A_410 = arith.constant 0 : i32
      %dma_start3A_411 = tpu.memref_slice %arg3[%add3A_403, %multiple_of3A_257, %dma_start3A_410] : memref<512x512x768xf32, #tpu.memory_space<hbm>> -> memref<1x64x768xf32, #tpu.memory_space<hbm>>
      %dma_start3A_412 = tpu.memref_squeeze %dma_start3A_411 : memref<1x64x768xf32, #tpu.memory_space<hbm>> -> memref<64x768xf32, #tpu.memory_space<hbm>>
      %dma_start3A_413 = arith.constant 32 : i32
      %dma_start3A_414 = arith.constant 0 : i32
      %dma_start3A_415 = tpu.memref_slice %arg6[%dma_start3A_413, %dma_start3A_414] : memref<128x768xf32, #tpu.memory_space<vmem>> -> memref<64x768xf32, #tpu.memory_space<vmem>>
      tpu.enqueue_dma source(%dma_start3A_415 : memref<64x768xf32, #tpu.memory_space<vmem>>) target(%dma_start3A_412 : memref<64x768xf32, #tpu.memory_space<hbm>>) target_semaphore(%arg9 : memref<!tpu.dma_semaphore, #tpu.memory_space<semaphore_mem>>)
      %mul3A_416 = arith.constant 64 : i32
      %mul3A_417 = arith.muli %mul3A_416, %select_n3A_254 : i32
      %add3A_418 = arith.constant 32 : i32
      %add3A_419 = arith.addi %mul3A_417, %add3A_418 : i32
      %add3A_420 = arith.addi %add3A_419, %select_n3A_228 : i32
      %dma_start3A_421 = arith.constant 24 : i32
      %dma_start3A_422 = arith.constant 0 : i32
      %dma_start3A_423 = tpu.memref_slice %arg6[%dma_start3A_421, %dma_start3A_422] : memref<128x768xf32, #tpu.memory_space<vmem>> -> memref<64x768xf32, #tpu.memory_space<vmem>>
      %dma_start3A_424 = arith.constant 0 : i32
      %dma_start3A_425 = tpu.memref_slice %arg3[%add3A_420, %multiple_of3A_257, %dma_start3A_424] : memref<512x512x768xf32, #tpu.memory_space<hbm>> -> memref<1x64x768xf32, #tpu.memory_space<hbm>>
      %dma_start3A_426 = tpu.memref_squeeze %dma_start3A_425 : memref<1x64x768xf32, #tpu.memory_space<hbm>> -> memref<64x768xf32, #tpu.memory_space<hbm>>
      %dma_start3A_427 = arith.constant 0 : i32
      %dma_start3A_428 = tpu.memref_slice %arg3[%add3A_420, %multiple_of3A_257, %dma_start3A_427] : memref<512x512x768xf32, #tpu.memory_space<hbm>> -> memref<1x64x768xf32, #tpu.memory_space<hbm>>
      %dma_start3A_429 = tpu.memref_squeeze %dma_start3A_428 : memref<1x64x768xf32, #tpu.memory_space<hbm>> -> memref<64x768xf32, #tpu.memory_space<hbm>>
      %dma_start3A_430 = arith.constant 24 : i32
      %dma_start3A_431 = arith.constant 0 : i32
      %dma_start3A_432 = tpu.memref_slice %arg6[%dma_start3A_430, %dma_start3A_431] : memref<128x768xf32, #tpu.memory_space<vmem>> -> memref<64x768xf32, #tpu.memory_space<vmem>>
      tpu.enqueue_dma source(%dma_start3A_432 : memref<64x768xf32, #tpu.memory_space<vmem>>) target(%dma_start3A_429 : memref<64x768xf32, #tpu.memory_space<hbm>>) target_semaphore(%arg9 : memref<!tpu.dma_semaphore, #tpu.memory_space<semaphore_mem>>)
      %mul3A_433 = arith.constant 64 : i32
      %mul3A_434 = arith.muli %mul3A_433, %select_n3A_254 : i32
      %add3A_435 = arith.constant 40 : i32
      %add3A_436 = arith.addi %mul3A_434, %add3A_435 : i32
      %add3A_437 = arith.addi %add3A_436, %select_n3A_228 : i32
      %dma_start3A_438 = arith.constant 16 : i32
      %dma_start3A_439 = arith.constant 0 : i32
      %dma_start3A_440 = tpu.memref_slice %arg6[%dma_start3A_438, %dma_start3A_439] : memref<128x768xf32, #tpu.memory_space<vmem>> -> memref<64x768xf32, #tpu.memory_space<vmem>>
      %dma_start3A_441 = arith.constant 0 : i32
      %dma_start3A_442 = tpu.memref_slice %arg3[%add3A_437, %multiple_of3A_257, %dma_start3A_441] : memref<512x512x768xf32, #tpu.memory_space<hbm>> -> memref<1x64x768xf32, #tpu.memory_space<hbm>>
      %dma_start3A_443 = tpu.memref_squeeze %dma_start3A_442 : memref<1x64x768xf32, #tpu.memory_space<hbm>> -> memref<64x768xf32, #tpu.memory_space<hbm>>
      %dma_start3A_444 = arith.constant 0 : i32
      %dma_start3A_445 = tpu.memref_slice %arg3[%add3A_437, %multiple_of3A_257, %dma_start3A_444] : memref<512x512x768xf32, #tpu.memory_space<hbm>> -> memref<1x64x768xf32, #tpu.memory_space<hbm>>
      %dma_start3A_446 = tpu.memref_squeeze %dma_start3A_445 : memref<1x64x768xf32, #tpu.memory_space<hbm>> -> memref<64x768xf32, #tpu.memory_space<hbm>>
      %dma_start3A_447 = arith.constant 16 : i32
      %dma_start3A_448 = arith.constant 0 : i32
      %dma_start3A_449 = tpu.memref_slice %arg6[%dma_start3A_447, %dma_start3A_448] : memref<128x768xf32, #tpu.memory_space<vmem>> -> memref<64x768xf32, #tpu.memory_space<vmem>>
      tpu.enqueue_dma source(%dma_start3A_449 : memref<64x768xf32, #tpu.memory_space<vmem>>) target(%dma_start3A_446 : memref<64x768xf32, #tpu.memory_space<hbm>>) target_semaphore(%arg9 : memref<!tpu.dma_semaphore, #tpu.memory_space<semaphore_mem>>)
      %mul3A_450 = arith.constant 64 : i32
      %mul3A_451 = arith.muli %mul3A_450, %select_n3A_254 : i32
      %add3A_452 = arith.constant 48 : i32
      %add3A_453 = arith.addi %mul3A_451, %add3A_452 : i32
      %add3A_454 = arith.addi %add3A_453, %select_n3A_228 : i32
      %dma_start3A_455 = arith.constant 8 : i32
      %dma_start3A_456 = arith.constant 0 : i32
      %dma_start3A_457 = tpu.memref_slice %arg6[%dma_start3A_455, %dma_start3A_456] : memref<128x768xf32, #tpu.memory_space<vmem>> -> memref<64x768xf32, #tpu.memory_space<vmem>>
      %dma_start3A_458 = arith.constant 0 : i32
      %dma_start3A_459 = tpu.memref_slice %arg3[%add3A_454, %multiple_of3A_257, %dma_start3A_458] : memref<512x512x768xf32, #tpu.memory_space<hbm>> -> memref<1x64x768xf32, #tpu.memory_space<hbm>>
      %dma_start3A_460 = tpu.memref_squeeze %dma_start3A_459 : memref<1x64x768xf32, #tpu.memory_space<hbm>> -> memref<64x768xf32, #tpu.memory_space<hbm>>
      %dma_start3A_461 = arith.constant 0 : i32
      %dma_start3A_462 = tpu.memref_slice %arg3[%add3A_454, %multiple_of3A_257, %dma_start3A_461] : memref<512x512x768xf32, #tpu.memory_space<hbm>> -> memref<1x64x768xf32, #tpu.memory_space<hbm>>
      %dma_start3A_463 = tpu.memref_squeeze %dma_start3A_462 : memref<1x64x768xf32, #tpu.memory_space<hbm>> -> memref<64x768xf32, #tpu.memory_space<hbm>>
      %dma_start3A_464 = arith.constant 8 : i32
      %dma_start3A_465 = arith.constant 0 : i32
      %dma_start3A_466 = tpu.memref_slice %arg6[%dma_start3A_464, %dma_start3A_465] : memref<128x768xf32, #tpu.memory_space<vmem>> -> memref<64x768xf32, #tpu.memory_space<vmem>>
      tpu.enqueue_dma source(%dma_start3A_466 : memref<64x768xf32, #tpu.memory_space<vmem>>) target(%dma_start3A_463 : memref<64x768xf32, #tpu.memory_space<hbm>>) target_semaphore(%arg9 : memref<!tpu.dma_semaphore, #tpu.memory_space<semaphore_mem>>)
      %mul3A_467 = arith.constant 64 : i32
      %mul3A_468 = arith.muli %mul3A_467, %select_n3A_254 : i32
      %add3A_469 = arith.constant 56 : i32
      %add3A_470 = arith.addi %mul3A_468, %add3A_469 : i32
      %add3A_471 = arith.addi %add3A_470, %select_n3A_228 : i32
      %dma_start3A_472 = arith.constant 0 : i32
      %dma_start3A_473 = arith.constant 0 : i32
      %dma_start3A_474 = tpu.memref_slice %arg6[%dma_start3A_472, %dma_start3A_473] : memref<128x768xf32, #tpu.memory_space<vmem>> -> memref<64x768xf32, #tpu.memory_space<vmem>>
      %dma_start3A_475 = arith.constant 0 : i32
      %dma_start3A_476 = tpu.memref_slice %arg3[%add3A_471, %multiple_of3A_257, %dma_start3A_475] : memref<512x512x768xf32, #tpu.memory_space<hbm>> -> memref<1x64x768xf32, #tpu.memory_space<hbm>>
      %dma_start3A_477 = tpu.memref_squeeze %dma_start3A_476 : memref<1x64x768xf32, #tpu.memory_space<hbm>> -> memref<64x768xf32, #tpu.memory_space<hbm>>
      %dma_start3A_478 = arith.constant 0 : i32
      %dma_start3A_479 = tpu.memref_slice %arg3[%add3A_471, %multiple_of3A_257, %dma_start3A_478] : memref<512x512x768xf32, #tpu.memory_space<hbm>> -> memref<1x64x768xf32, #tpu.memory_space<hbm>>
      %dma_start3A_480 = tpu.memref_squeeze %dma_start3A_479 : memref<1x64x768xf32, #tpu.memory_space<hbm>> -> memref<64x768xf32, #tpu.memory_space<hbm>>
      %dma_start3A_481 = arith.constant 0 : i32
      %dma_start3A_482 = arith.constant 0 : i32
      %dma_start3A_483 = tpu.memref_slice %arg6[%dma_start3A_481, %dma_start3A_482] : memref<128x768xf32, #tpu.memory_space<vmem>> -> memref<64x768xf32, #tpu.memory_space<vmem>>
      tpu.enqueue_dma source(%dma_start3A_483 : memref<64x768xf32, #tpu.memory_space<vmem>>) target(%dma_start3A_480 : memref<64x768xf32, #tpu.memory_space<hbm>>) target_semaphore(%arg9 : memref<!tpu.dma_semaphore, #tpu.memory_space<semaphore_mem>>)
    }
    %scan3A_28 = arith.constant 15 : i32
    %dma_wait3A = arith.constant 0 : i32
    %dma_wait3A_29 = arith.constant 0 : i32
    %dma_wait3A_30 = arith.constant 0 : i32
    %dma_wait3A_31 = tpu.memref_slice %arg6[%dma_wait3A_29, %dma_wait3A_30] : memref<128x768xf32, #tpu.memory_space<vmem>> -> memref<64x768xf32, #tpu.memory_space<vmem>>
    %dma_wait3A_32 = arith.constant 0 : i32
    %dma_wait3A_33 = arith.constant 0 : i32
    %dma_wait3A_34 = tpu.memref_slice %arg3[%dma_wait3A, %dma_wait3A_32, %dma_wait3A_33] : memref<512x512x768xf32, #tpu.memory_space<hbm>> -> memref<1x64x768xf32, #tpu.memory_space<hbm>>
    %dma_wait3A_35 = tpu.memref_squeeze %dma_wait3A_34 : memref<1x64x768xf32, #tpu.memory_space<hbm>> -> memref<64x768xf32, #tpu.memory_space<hbm>>
    %dma_wait3A_36 = arith.constant 0 : i32
    %dma_wait3A_37 = arith.constant 0 : i32
    %dma_wait3A_38 = tpu.memref_slice %arg3[%dma_wait3A, %dma_wait3A_36, %dma_wait3A_37] : memref<512x512x768xf32, #tpu.memory_space<hbm>> -> memref<1x64x768xf32, #tpu.memory_space<hbm>>
    %dma_wait3A_39 = tpu.memref_squeeze %dma_wait3A_38 : memref<1x64x768xf32, #tpu.memory_space<hbm>> -> memref<64x768xf32, #tpu.memory_space<hbm>>
    %dma_wait3A_40 = arith.constant 0 : i32
    %dma_wait3A_41 = arith.constant 0 : i32
    %dma_wait3A_42 = tpu.memref_slice %arg6[%dma_wait3A_40, %dma_wait3A_41] : memref<128x768xf32, #tpu.memory_space<vmem>> -> memref<64x768xf32, #tpu.memory_space<vmem>>
    tpu.wait_dma2 semaphore(%arg9 : memref<!tpu.dma_semaphore, #tpu.memory_space<semaphore_mem>>) src(%dma_wait3A_42 : memref<64x768xf32, #tpu.memory_space<vmem>>) dst(%dma_wait3A_39 : memref<64x768xf32, #tpu.memory_space<hbm>>)
    %dma_wait3A_43 = arith.constant 0 : i32
    %dma_wait3A_44 = arith.constant 0 : i32
    %dma_wait3A_45 = arith.constant 0 : i32
    %dma_wait3A_46 = tpu.memref_slice %arg6[%dma_wait3A_44, %dma_wait3A_45] : memref<128x768xf32, #tpu.memory_space<vmem>> -> memref<64x768xf32, #tpu.memory_space<vmem>>
    %dma_wait3A_47 = arith.constant 0 : i32
    %dma_wait3A_48 = arith.constant 0 : i32
    %dma_wait3A_49 = tpu.memref_slice %arg3[%dma_wait3A_43, %dma_wait3A_47, %dma_wait3A_48] : memref<512x512x768xf32, #tpu.memory_space<hbm>> -> memref<1x64x768xf32, #tpu.memory_space<hbm>>
    %dma_wait3A_50 = tpu.memref_squeeze %dma_wait3A_49 : memref<1x64x768xf32, #tpu.memory_space<hbm>> -> memref<64x768xf32, #tpu.memory_space<hbm>>
    %dma_wait3A_51 = arith.constant 0 : i32
    %dma_wait3A_52 = arith.constant 0 : i32
    %dma_wait3A_53 = tpu.memref_slice %arg3[%dma_wait3A_43, %dma_wait3A_51, %dma_wait3A_52] : memref<512x512x768xf32, #tpu.memory_space<hbm>> -> memref<1x64x768xf32, #tpu.memory_space<hbm>>
    %dma_wait3A_54 = tpu.memref_squeeze %dma_wait3A_53 : memref<1x64x768xf32, #tpu.memory_space<hbm>> -> memref<64x768xf32, #tpu.memory_space<hbm>>
    %dma_wait3A_55 = arith.constant 0 : i32
    %dma_wait3A_56 = arith.constant 0 : i32
    %dma_wait3A_57 = tpu.memref_slice %arg6[%dma_wait3A_55, %dma_wait3A_56] : memref<128x768xf32, #tpu.memory_space<vmem>> -> memref<64x768xf32, #tpu.memory_space<vmem>>
    tpu.wait_dma2 semaphore(%arg9 : memref<!tpu.dma_semaphore, #tpu.memory_space<semaphore_mem>>) src(%dma_wait3A_57 : memref<64x768xf32, #tpu.memory_space<vmem>>) dst(%dma_wait3A_54 : memref<64x768xf32, #tpu.memory_space<hbm>>)
    %dma_wait3A_58 = arith.constant 0 : i32
    %dma_wait3A_59 = arith.constant 0 : i32
    %dma_wait3A_60 = arith.constant 0 : i32
    %dma_wait3A_61 = tpu.memref_slice %arg6[%dma_wait3A_59, %dma_wait3A_60] : memref<128x768xf32, #tpu.memory_space<vmem>> -> memref<64x768xf32, #tpu.memory_space<vmem>>
    %dma_wait3A_62 = arith.constant 0 : i32
    %dma_wait3A_63 = arith.constant 0 : i32
    %dma_wait3A_64 = tpu.memref_slice %arg3[%dma_wait3A_58, %dma_wait3A_62, %dma_wait3A_63] : memref<512x512x768xf32, #tpu.memory_space<hbm>> -> memref<1x64x768xf32, #tpu.memory_space<hbm>>
    %dma_wait3A_65 = tpu.memref_squeeze %dma_wait3A_64 : memref<1x64x768xf32, #tpu.memory_space<hbm>> -> memref<64x768xf32, #tpu.memory_space<hbm>>
    %dma_wait3A_66 = arith.constant 0 : i32
    %dma_wait3A_67 = arith.constant 0 : i32
    %dma_wait3A_68 = tpu.memref_slice %arg3[%dma_wait3A_58, %dma_wait3A_66, %dma_wait3A_67] : memref<512x512x768xf32, #tpu.memory_space<hbm>> -> memref<1x64x768xf32, #tpu.memory_space<hbm>>
    %dma_wait3A_69 = tpu.memref_squeeze %dma_wait3A_68 : memref<1x64x768xf32, #tpu.memory_space<hbm>> -> memref<64x768xf32, #tpu.memory_space<hbm>>
    %dma_wait3A_70 = arith.constant 0 : i32
    %dma_wait3A_71 = arith.constant 0 : i32
    %dma_wait3A_72 = tpu.memref_slice %arg6[%dma_wait3A_70, %dma_wait3A_71] : memref<128x768xf32, #tpu.memory_space<vmem>> -> memref<64x768xf32, #tpu.memory_space<vmem>>
    tpu.wait_dma2 semaphore(%arg9 : memref<!tpu.dma_semaphore, #tpu.memory_space<semaphore_mem>>) src(%dma_wait3A_72 : memref<64x768xf32, #tpu.memory_space<vmem>>) dst(%dma_wait3A_69 : memref<64x768xf32, #tpu.memory_space<hbm>>)
    %dma_wait3A_73 = arith.constant 0 : i32
    %dma_wait3A_74 = arith.constant 0 : i32
    %dma_wait3A_75 = arith.constant 0 : i32
    %dma_wait3A_76 = tpu.memref_slice %arg6[%dma_wait3A_74, %dma_wait3A_75] : memref<128x768xf32, #tpu.memory_space<vmem>> -> memref<64x768xf32, #tpu.memory_space<vmem>>
    %dma_wait3A_77 = arith.constant 0 : i32
    %dma_wait3A_78 = arith.constant 0 : i32
    %dma_wait3A_79 = tpu.memref_slice %arg3[%dma_wait3A_73, %dma_wait3A_77, %dma_wait3A_78] : memref<512x512x768xf32, #tpu.memory_space<hbm>> -> memref<1x64x768xf32, #tpu.memory_space<hbm>>
    %dma_wait3A_80 = tpu.memref_squeeze %dma_wait3A_79 : memref<1x64x768xf32, #tpu.memory_space<hbm>> -> memref<64x768xf32, #tpu.memory_space<hbm>>
    %dma_wait3A_81 = arith.constant 0 : i32
    %dma_wait3A_82 = arith.constant 0 : i32
    %dma_wait3A_83 = tpu.memref_slice %arg3[%dma_wait3A_73, %dma_wait3A_81, %dma_wait3A_82] : memref<512x512x768xf32, #tpu.memory_space<hbm>> -> memref<1x64x768xf32, #tpu.memory_space<hbm>>
    %dma_wait3A_84 = tpu.memref_squeeze %dma_wait3A_83 : memref<1x64x768xf32, #tpu.memory_space<hbm>> -> memref<64x768xf32, #tpu.memory_space<hbm>>
    %dma_wait3A_85 = arith.constant 0 : i32
    %dma_wait3A_86 = arith.constant 0 : i32
    %dma_wait3A_87 = tpu.memref_slice %arg6[%dma_wait3A_85, %dma_wait3A_86] : memref<128x768xf32, #tpu.memory_space<vmem>> -> memref<64x768xf32, #tpu.memory_space<vmem>>
    tpu.wait_dma2 semaphore(%arg9 : memref<!tpu.dma_semaphore, #tpu.memory_space<semaphore_mem>>) src(%dma_wait3A_87 : memref<64x768xf32, #tpu.memory_space<vmem>>) dst(%dma_wait3A_84 : memref<64x768xf32, #tpu.memory_space<hbm>>)
    %dma_wait3A_88 = arith.constant 0 : i32
    %dma_wait3A_89 = arith.constant 0 : i32
    %dma_wait3A_90 = arith.constant 0 : i32
    %dma_wait3A_91 = tpu.memref_slice %arg6[%dma_wait3A_89, %dma_wait3A_90] : memref<128x768xf32, #tpu.memory_space<vmem>> -> memref<64x768xf32, #tpu.memory_space<vmem>>
    %dma_wait3A_92 = arith.constant 0 : i32
    %dma_wait3A_93 = arith.constant 0 : i32
    %dma_wait3A_94 = tpu.memref_slice %arg3[%dma_wait3A_88, %dma_wait3A_92, %dma_wait3A_93] : memref<512x512x768xf32, #tpu.memory_space<hbm>> -> memref<1x64x768xf32, #tpu.memory_space<hbm>>
    %dma_wait3A_95 = tpu.memref_squeeze %dma_wait3A_94 : memref<1x64x768xf32, #tpu.memory_space<hbm>> -> memref<64x768xf32, #tpu.memory_space<hbm>>
    %dma_wait3A_96 = arith.constant 0 : i32
    %dma_wait3A_97 = arith.constant 0 : i32
    %dma_wait3A_98 = tpu.memref_slice %arg3[%dma_wait3A_88, %dma_wait3A_96, %dma_wait3A_97] : memref<512x512x768xf32, #tpu.memory_space<hbm>> -> memref<1x64x768xf32, #tpu.memory_space<hbm>>
    %dma_wait3A_99 = tpu.memref_squeeze %dma_wait3A_98 : memref<1x64x768xf32, #tpu.memory_space<hbm>> -> memref<64x768xf32, #tpu.memory_space<hbm>>
    %dma_wait3A_100 = arith.constant 0 : i32
    %dma_wait3A_101 = arith.constant 0 : i32
    %dma_wait3A_102 = tpu.memref_slice %arg6[%dma_wait3A_100, %dma_wait3A_101] : memref<128x768xf32, #tpu.memory_space<vmem>> -> memref<64x768xf32, #tpu.memory_space<vmem>>
    tpu.wait_dma2 semaphore(%arg9 : memref<!tpu.dma_semaphore, #tpu.memory_space<semaphore_mem>>) src(%dma_wait3A_102 : memref<64x768xf32, #tpu.memory_space<vmem>>) dst(%dma_wait3A_99 : memref<64x768xf32, #tpu.memory_space<hbm>>)
    %dma_wait3A_103 = arith.constant 0 : i32
    %dma_wait3A_104 = arith.constant 0 : i32
    %dma_wait3A_105 = arith.constant 0 : i32
    %dma_wait3A_106 = tpu.memref_slice %arg6[%dma_wait3A_104, %dma_wait3A_105] : memref<128x768xf32, #tpu.memory_space<vmem>> -> memref<64x768xf32, #tpu.memory_space<vmem>>
    %dma_wait3A_107 = arith.constant 0 : i32
    %dma_wait3A_108 = arith.constant 0 : i32
    %dma_wait3A_109 = tpu.memref_slice %arg3[%dma_wait3A_103, %dma_wait3A_107, %dma_wait3A_108] : memref<512x512x768xf32, #tpu.memory_space<hbm>> -> memref<1x64x768xf32, #tpu.memory_space<hbm>>
    %dma_wait3A_110 = tpu.memref_squeeze %dma_wait3A_109 : memref<1x64x768xf32, #tpu.memory_space<hbm>> -> memref<64x768xf32, #tpu.memory_space<hbm>>
    %dma_wait3A_111 = arith.constant 0 : i32
    %dma_wait3A_112 = arith.constant 0 : i32
    %dma_wait3A_113 = tpu.memref_slice %arg3[%dma_wait3A_103, %dma_wait3A_111, %dma_wait3A_112] : memref<512x512x768xf32, #tpu.memory_space<hbm>> -> memref<1x64x768xf32, #tpu.memory_space<hbm>>
    %dma_wait3A_114 = tpu.memref_squeeze %dma_wait3A_113 : memref<1x64x768xf32, #tpu.memory_space<hbm>> -> memref<64x768xf32, #tpu.memory_space<hbm>>
    %dma_wait3A_115 = arith.constant 0 : i32
    %dma_wait3A_116 = arith.constant 0 : i32
    %dma_wait3A_117 = tpu.memref_slice %arg6[%dma_wait3A_115, %dma_wait3A_116] : memref<128x768xf32, #tpu.memory_space<vmem>> -> memref<64x768xf32, #tpu.memory_space<vmem>>
    tpu.wait_dma2 semaphore(%arg9 : memref<!tpu.dma_semaphore, #tpu.memory_space<semaphore_mem>>) src(%dma_wait3A_117 : memref<64x768xf32, #tpu.memory_space<vmem>>) dst(%dma_wait3A_114 : memref<64x768xf32, #tpu.memory_space<hbm>>)
    %dma_wait3A_118 = arith.constant 0 : i32
    %dma_wait3A_119 = arith.constant 0 : i32
    %dma_wait3A_120 = arith.constant 0 : i32
    %dma_wait3A_121 = tpu.memref_slice %arg6[%dma_wait3A_119, %dma_wait3A_120] : memref<128x768xf32, #tpu.memory_space<vmem>> -> memref<64x768xf32, #tpu.memory_space<vmem>>
    %dma_wait3A_122 = arith.constant 0 : i32
    %dma_wait3A_123 = arith.constant 0 : i32
    %dma_wait3A_124 = tpu.memref_slice %arg3[%dma_wait3A_118, %dma_wait3A_122, %dma_wait3A_123] : memref<512x512x768xf32, #tpu.memory_space<hbm>> -> memref<1x64x768xf32, #tpu.memory_space<hbm>>
    %dma_wait3A_125 = tpu.memref_squeeze %dma_wait3A_124 : memref<1x64x768xf32, #tpu.memory_space<hbm>> -> memref<64x768xf32, #tpu.memory_space<hbm>>
    %dma_wait3A_126 = arith.constant 0 : i32
    %dma_wait3A_127 = arith.constant 0 : i32
    %dma_wait3A_128 = tpu.memref_slice %arg3[%dma_wait3A_118, %dma_wait3A_126, %dma_wait3A_127] : memref<512x512x768xf32, #tpu.memory_space<hbm>> -> memref<1x64x768xf32, #tpu.memory_space<hbm>>
    %dma_wait3A_129 = tpu.memref_squeeze %dma_wait3A_128 : memref<1x64x768xf32, #tpu.memory_space<hbm>> -> memref<64x768xf32, #tpu.memory_space<hbm>>
    %dma_wait3A_130 = arith.constant 0 : i32
    %dma_wait3A_131 = arith.constant 0 : i32
    %dma_wait3A_132 = tpu.memref_slice %arg6[%dma_wait3A_130, %dma_wait3A_131] : memref<128x768xf32, #tpu.memory_space<vmem>> -> memref<64x768xf32, #tpu.memory_space<vmem>>
    tpu.wait_dma2 semaphore(%arg9 : memref<!tpu.dma_semaphore, #tpu.memory_space<semaphore_mem>>) src(%dma_wait3A_132 : memref<64x768xf32, #tpu.memory_space<vmem>>) dst(%dma_wait3A_129 : memref<64x768xf32, #tpu.memory_space<hbm>>)
    %dma_wait3A_133 = arith.constant 0 : i32
    %dma_wait3A_134 = arith.constant 0 : i32
    %dma_wait3A_135 = arith.constant 0 : i32
    %dma_wait3A_136 = tpu.memref_slice %arg6[%dma_wait3A_134, %dma_wait3A_135] : memref<128x768xf32, #tpu.memory_space<vmem>> -> memref<64x768xf32, #tpu.memory_space<vmem>>
    %dma_wait3A_137 = arith.constant 0 : i32
    %dma_wait3A_138 = arith.constant 0 : i32
    %dma_wait3A_139 = tpu.memref_slice %arg3[%dma_wait3A_133, %dma_wait3A_137, %dma_wait3A_138] : memref<512x512x768xf32, #tpu.memory_space<hbm>> -> memref<1x64x768xf32, #tpu.memory_space<hbm>>
    %dma_wait3A_140 = tpu.memref_squeeze %dma_wait3A_139 : memref<1x64x768xf32, #tpu.memory_space<hbm>> -> memref<64x768xf32, #tpu.memory_space<hbm>>
    %dma_wait3A_141 = arith.constant 0 : i32
    %dma_wait3A_142 = arith.constant 0 : i32
    %dma_wait3A_143 = tpu.memref_slice %arg3[%dma_wait3A_133, %dma_wait3A_141, %dma_wait3A_142] : memref<512x512x768xf32, #tpu.memory_space<hbm>> -> memref<1x64x768xf32, #tpu.memory_space<hbm>>
    %dma_wait3A_144 = tpu.memref_squeeze %dma_wait3A_143 : memref<1x64x768xf32, #tpu.memory_space<hbm>> -> memref<64x768xf32, #tpu.memory_space<hbm>>
    %dma_wait3A_145 = arith.constant 0 : i32
    %dma_wait3A_146 = arith.constant 0 : i32
    %dma_wait3A_147 = tpu.memref_slice %arg6[%dma_wait3A_145, %dma_wait3A_146] : memref<128x768xf32, #tpu.memory_space<vmem>> -> memref<64x768xf32, #tpu.memory_space<vmem>>
    tpu.wait_dma2 semaphore(%arg9 : memref<!tpu.dma_semaphore, #tpu.memory_space<semaphore_mem>>) src(%dma_wait3A_147 : memref<64x768xf32, #tpu.memory_space<vmem>>) dst(%dma_wait3A_144 : memref<64x768xf32, #tpu.memory_space<hbm>>)
    %dma_wait3A_148 = arith.constant 0 : i32
    %dma_wait3A_149 = arith.constant 0 : i32
    %dma_wait3A_150 = arith.constant 0 : i32
    %dma_wait3A_151 = tpu.memref_slice %arg3[%dma_wait3A_148, %dma_wait3A_149, %dma_wait3A_150] : memref<512x512x768xf32, #tpu.memory_space<hbm>> -> memref<1x512x768xf32, #tpu.memory_space<hbm>>
    %dma_wait3A_152 = tpu.memref_squeeze %dma_wait3A_151 : memref<1x512x768xf32, #tpu.memory_space<hbm>> -> memref<512x768xf32, #tpu.memory_space<hbm>>
    %dma_wait3A_153 = arith.constant 0 : i32
    %dma_wait3A_154 = arith.constant 0 : i32
    %dma_wait3A_155 = tpu.memref_slice %arg7[%dma_wait3A_153, %dma_wait3A_154] : memref<640x768xf32, #tpu.memory_space<vmem_shared>> -> memref<512x768xf32, #tpu.memory_space<vmem_shared>>
    tpu.wait_dma2 semaphore(%arg10 : memref<!tpu.dma_semaphore, #tpu.memory_space<semaphore_mem>>) src(%dma_wait3A_155 : memref<512x768xf32, #tpu.memory_space<vmem_shared>>) dst(%dma_wait3A_152 : memref<512x768xf32, #tpu.memory_space<hbm>>)
    return
  }
}

</mosaic_0001>

<sc_bundles>
// kernel: kernel.3.cloned.1.call-start
scs
__scs_entry_jumppad:
0x0: {  	(pc) =	sbr.rel $0x88, $3  }
0x1: {  	(tag) =	ssettag $0x0;
	lr =	simm.s32 $0x1  }
0x2: {  	[smem:$0x3FA0] =	sst lr;
	_ =	strace $0xD0000000  }
0x3: {  	_ = 	snop  }
0x4: {  	_ = 	snop  }
0x5: {  	_ = 	snop  }
0x6: {  	_ = 	snop  }
0x7: {  	_ = 	snop  }
__scs_overlays_trampoline_lowered:
0x8: {  	[smem:$0x3FAF] =	sst s0  }
0x9: {  	[smem:$0x3FB0] =	sst s1  }
0xa: {  	[smem:$0x3FB1] =	sst s2  }
0xb: {  	[smem:$0x3FB2] =	sst s3  }
0xc: {  	[smem:$0x3FB3] =	sst s4  }
0xd: {  	[smem:$0x3FB4] =	sst s5  }
0xe: {  	[smem:$0x3FB5] =	sst s6  }
0xf: {  	[smem:$0x3FB6] =	sst s7  }
0x10: {  	[smem:$0x3FB7] =	sst s8  }
0x11: {  	[smem:$0x3FB8] =	sst s9;
	s0 =	simm.s32 @!p0 $0x0  }
0x12: {  	s1 =	sld [smem:$0x3F9E];
	s0 =	simm.s32 @p0 $0x1  }
0x13: {  	[smem:$0x3FB9] =	sst s0;
	s0 =	simm.s32 @!p1 $0x0  }
0x14: {  	s2 =	sld [smem:$0x3F9D];
	s0 =	simm.s32 @p1 $0x1  }
0x15: {  	[smem:$0x3FBA] =	sst s0;
	s0 =	simm.s32 @!p2 $0x0  }
0x16: {  	s3 =	sld [smem:$0x3FDB];
	s0 =	simm.s32 @p2 $0x1  }
0x17: {  	s4 =	simm.s32 $0x1BF5;
	[smem:$0x3FBC] =	sst s0  }
0x18: {  	s0 =	sld [smem:$0x3F9F];
	_ =	swait.ge [sflag:s4], $0x0  }
0x19: {  	s7 =	sld [smem:$0x3FA0]  }
0x1a: {  	s8 =	sadd.s32 $0xFFFFE003, lr  }
0x1b: {  	s9 =	sadd.s32 $0xFFFFFEF7, lr;
	s5 =	simm.s32 $0xFFFFFFFF;
	p2 =	slt.u32 s8, $0xFFFFF086  }
0x1c: {  	p1 =	slt.u32 s9, $0xF7A;
	s5 =	simm.s32 @!p2 $0x0  }
0x1d: {  	s5 =	simm.s32 @p1 $0x1;
	p0 =	seq.s32 s7, s2  }
0x1e: {  	s7 =	smul.u32 @!p0 $0xF7A, s2;
	p2 =	seq.s32 @!p0 s5, $0x0  }
0x1f: {  	s9 =	smul.u32 $0xF7A, s1;
	s8 =	simm.s32 @!p0 $0x1BF5;
	p2 =	por !p2, p0  }
0x20: {  	[sflag:s8] =	ssyncset.s32 @!p0 $0xFFFFF086;
	s6 =	sadd.s32 @!p0 s3, s7;
	s7 =	simm.s32 @!p0 $0x108  }
0x21: {  	s3 =	sadd.s32 s3, s9;
	s6 =	sadd.s32 @!p0 $0x88, s6;
	s7 =	simm.s32 @p2 $0x1082  }
0x22: {  	[simem:s7], [sflag:s8] =	dma.local @!p0 [hbm:s6], $0xF7A  }
0x23: {  	s9 =	sor.u32 $0xD0000000, s2;
	s6 =	simm.s32 $0x108;
	_ =	swait.ge @!p0 [sflag:s8], $0x0  }
0x24: {  	s3 =	sadd.s32 $0x88, s3;
	s6 =	simm.s32 @!p1 $0x1082;
	[sflag:s4] =	ssyncset.s32 $0xFFFFF086  }
0x25: {  	[simem:s6], [sflag:s4] =	dma.local [hbm:s3], $0xF7A  }
0x26: {  	[smem:$0x3FA0] =	sst s1;
	(tag) =	ssettag s2;
	_ =	strace s9  }
0x27: {  	s1 =	sld [smem:$0x3FB0]  }
0x28: {  	s2 =	sld [smem:$0x3FB1]  }
0x29: {  	s4 =	sld [smem:$0x3FB3]  }
0x2a: {  	p0 =	seq.s32 s5, $0x0;
	s5 =	sld [smem:$0x3FB4]  }
0x2b: {  	s6 =	sld [smem:$0x3FB5]  }
0x2c: {  	s7 =	sld [smem:$0x3FB6]  }
0x2d: {  	s3 =	simm.s32 $0x108;
	s8 =	sld [smem:$0x3FB7]  }
0x2e: {  	s3 =	simm.s32 @!p0 $0x1082;
	s9 =	sld [smem:$0x3FB8]  }
0x2f: {  	lr =	sadd.s32 s0, s3;
	s0 =	sld [smem:$0x3FAF]  }
0x30: {  	s3 =	sld [smem:$0x3FB2]  }
0x31: {  	[smem:$0x3FBB] =	sst s10  }
0x32: {  	s10 =	sld [smem:$0x3FB9];
	_ =	sdelay $0x3  }
0x33: {  	p0 =	seq.s32 s10, $0x1;
	s10 =	sld [smem:$0x3FBB];
	_ =	sdelay $0x3  }
0x34: {  	[smem:$0x3FBB] =	sst s10  }
0x35: {  	s10 =	sld [smem:$0x3FBA];
	_ =	sdelay $0x3  }
0x36: {  	p1 =	seq.s32 s10, $0x1;
	s10 =	sld [smem:$0x3FBB];
	_ =	sdelay $0x3  }
0x37: {  	[smem:$0x3FBB] =	sst s10  }
0x38: {  	s10 =	sld [smem:$0x3FBC]  }
0x39: {  	_ = 	snop;
	(pc) =	sbr.ind lr, $3  }
0x3a: {  	_ = 	snop  }
0x3b: {  	_ = 	snop  }
0x3c: {  	p2 =	seq.s32 s10, $0x1;
	s10 =	sld [smem:$0x3FBB]  }
0x3d: {  	_ =	shalt  }
0x3e: {  	_ =	shalt  }
0x3f: {  	_ =	shalt  }
0x40: {  	_ =	shalt  }
0x41: {  	_ =	shalt  }
0x42: {  	_ =	shalt  }
0x43: {  	_ =	shalt  }
0x44: {  	_ =	shalt  }
0x45: {  	_ =	shalt  }
0x46: {  	_ =	shalt  }
0x47: {  	_ =	shalt  }
0x48: {  	_ =	shalt  }
0x49: {  	_ =	shalt  }
0x4a: {  	_ =	shalt  }
0x4b: {  	_ =	shalt  }
0x4c: {  	_ =	shalt  }
0x4d: {  	_ =	shalt  }
0x4e: {  	_ =	shalt  }
0x4f: {  	_ =	shalt  }
0x50: {  	_ =	shalt  }
0x51: {  	_ =	shalt  }
0x52: {  	_ =	shalt  }
0x53: {  	_ =	shalt  }
0x54: {  	_ =	shalt  }
0x55: {  	_ =	shalt  }
0x56: {  	_ =	shalt  }
0x57: {  	_ =	shalt  }
0x58: {  	_ =	shalt  }
0x59: {  	_ =	shalt  }
0x5a: {  	_ =	shalt  }
0x5b: {  	_ =	shalt  }
0x5c: {  	_ =	shalt  }
0x5d: {  	_ =	shalt  }
0x5e: {  	_ =	shalt  }
0x5f: {  	_ =	shalt  }
0x60: {  	_ =	shalt  }
0x61: {  	_ =	shalt  }
0x62: {  	_ =	shalt  }
0x63: {  	_ =	shalt  }
0x64: {  	_ =	shalt  }
0x65: {  	_ =	shalt  }
0x66: {  	_ =	shalt  }
0x67: {  	_ =	shalt  }
0x68: {  	_ =	shalt  }
0x69: {  	_ =	shalt  }
0x6a: {  	_ =	shalt  }
0x6b: {  	_ =	shalt  }
0x6c: {  	_ =	shalt  }
0x6d: {  	_ =	shalt  }
0x6e: {  	_ =	shalt  }
0x6f: {  	_ =	shalt  }
0x70: {  	_ =	shalt  }
0x71: {  	_ =	shalt  }
0x72: {  	_ =	shalt  }
0x73: {  	_ =	shalt  }
0x74: {  	_ =	shalt  }
0x75: {  	_ =	shalt  }
0x76: {  	_ =	shalt  }
0x77: {  	_ =	shalt  }
0x78: {  	_ =	shalt  }
0x79: {  	_ =	shalt  }
0x7a: {  	_ =	shalt  }
0x7b: {  	_ =	shalt  }
0x7c: {  	_ =	shalt  }
0x7d: {  	_ =	shalt  }
0x7e: {  	_ =	shalt  }
0x7f: {  	_ =	shalt  }
0x80: {  	_ =	shalt  }
0x81: {  	_ =	shalt  }
0x82: {  	_ =	shalt  }
0x83: {  	_ =	shalt  }
0x84: {  	_ =	shalt  }
0x85: {  	_ =	shalt  }
0x86: {  	_ =	shalt  }
0x87: {  	_ =	shalt  }
.Lfunc_end0:
.L_simem_size_0:
called_computation_lowered:
.L_overlay_start_0:
0x88: {  	s2 =	sld [smem:$0x3FD9]  }
0x89: {  	s3 =	sld [smem:$0x3FFE];
	_ =	sdelay $0x1  }
0x8a: {  	s1 =	srdreg.scid  }
0x8b: {  	s0 =	sand.u32 $0x1, s1  }
0x8c: {  	s17 =	sshll.u32 s0, $0xA;
	s2 =	sadd.s32 s3, s2  }
0x8d: {  	s2 =	sadd.s32 s2, s17  }
0x8e: {  	[smem:$0x3FC7] =	sst s2  }
0x8f: {  	_ = 	snop  }
0x90: {  	s2 =	sld [smem:$0x3FD0];
	(tm) =	ssettm $0x1  }
0x91: {  	s18 =	sld [smem:$0x3FFB];
	_ =	sdelay $0x3  }
0x92: {  	_ =	strace s18  }
0x93: {  	s3 =	sld [smem:$0x3FFC];
	_ =	sdelay $0x3  }
0x94: {  	_ =	strace s3  }
0x95: {  	s3 =	sld [smem:$0x3FFD];
	_ =	sdelay $0x3  }
0x96: {  	_ =	strace s3  }
0x97: {  	_ =	strace $0x8FFFFFFF  }
0x98: {  	s19 =	sld [smem:$0x3FDB];
	_ =	sdelay $0x1  }
0x99: {  	s4 =	simm.s32 $_scs_section_size  }
0x9a: {  	s5 =	simm.s32 $_size__tile_overlayer_lowered;
	s6 =	simm.s32 $_tile_overlayer_lowered  }
0x9b: {  	s22 =	simm.s32 $0x1BFF;
	s21 =	sshll.u32 s6, $0x1;
	s3 =	sadd.s32 s4, s19  }
0x9c: {  	s7 =	simm.s32 $0x0;
	s20 =	sshll.u32 s5, $0x1;
	s5 =	sadd.s32 s21, s3  }
0x9d: {  	[timem:s7], [sflag:s22] =	dma.local [hbm:s5], s20  }
0x9e: {  	_ =	swait.ge [sflag:s22], s20  }
0x9f: {  	s4 =	ssub.s32 $0x0, s20;
	[sflag:s22] =	ssyncset.done $0x0  }
0xa0: {  	[sflag:s22] =	ssyncadd.s32 s4;
	_ =	sdelay $0x1  }
0xa1: {  	s23 =	simm.s32 $0x1B8B  }
0xa2: {  	_ =	swait.ge [sflag:s23], $0x1  }
0xa3: {  	[sflag:s23] =	ssyncset.done $0x0  }
0xa4: {  	s25 =	simm.s32 $0x1B8E;
	s24 =	sld [smem:$0x3FFE];
	[sflag:s23] =	ssyncadd.s32 $0xFFFFFFFF  }
0xa5: {  	s26 =	simm.s32 $execute0_lowered;
	[smem:$0x3FD2] =	sst s25  }
0xa6: {  	s5 =	sshll.u32 s26, $0x1;
	_ =	strace $0x80000046;
	[dreg:$0x1] =	wrdreg $0xFFFFFFFF  }
0xa7: {  	s28 =	simm.s32 $_size_execute0_lowered;
	s3 =	sadd.s32 s3, s5;
	[dreg:$0x0] =	wrdreg $0x0  }
0xa8: {  	s5 =	sshll.u32 s28, $0x1;
	[dreg:$0x2] =	wrdreg s3  }
0xa9: {  	[dreg:$0x3] =	wrdreg s5  }
0xaa: {  	[dreg:$0x4] =	wrdreg $0xC0  }
0xab: {  	_ =	task [dreg:s7], $0x5FFFF  }
0xac: {  	[dreg:$0x1] =	wrdreg $0xFFFFFFFF  }
0xad: {  	[dreg:$0x0] =	wrdreg $0x60  }
0xae: {  	[dreg:$0x2] =	wrdreg s24  }
0xaf: {  	[dreg:$0x3] =	wrdreg s2  }
0xb0: {  	[dreg:$0x4] =	wrdreg $0x181000  }
0xb1: {  	[dreg:$0x5] =	wrdreg $0x9  }
0xb2: {  	_ =	task.clear_ibuf [dreg:s7], $0x6FFFF;
	_ =	strace $0x90000046  }
0xb3: {  	s29 =	simm.s32 $0x9;
	_ =	strace $0x80000048  }
0xb4: {  	_ =	swait.ge [sflag:s29], $0x1  }
0xb5: {  	[sflag:s29] =	ssyncadd.s32 $0xFFFFFFFF  }
0xb6: {  	_ =	strace $0x90000048  }
0xb7: {  	_ =	sfence  }
0xb8: {  	s30 =	sld [smem:$0x0];
	_ =	sdelay $0x2  }
0xb9: {  	s31 =	sshll.u32 s1, $0xD;
	s1 =	sshrl.u32 s1, $0x2  }
0xba: {  	s3 =	sand.u32 $0x4000, s31;
	s1 =	sadd.s32 s1, s30  }
0xbb: {  	s0 =	sor.u32 s3, s0;
	s1 =	sshll.u32 s1, $0x11  }
0xbc: {  	s0 =	sor.u32 s1, s0  }
0xbd: {  	s0 =	sadd.s32 $0x8F2B, s0  }
0xbe: {  	[sflag:s0] =	ssyncadd.remote.s32 $0x1  }
0xbf: {  	_ =	sfence.sel $0xFFFF  }
0xc0: {  	[dreg:$0x0] =	wrdreg $0xFFFFFFFF;
	(pc) =	sbr.abs _section_cstart, $3  }
0xc1: {  	[dreg:$0x1] =	wrdreg $0xFFFFFFFF  }
0xc2: {  	_ =	task.clear_ibuf [dreg:s7], $0x2FFFF;
	_ =	strace $0x9FFFFFFF  }
0xc3: {  	(tm) =	ssettm $0x7FFFFFFF  }
tec
execute0_lowered:
.L_overlay_start_1:
0x0: {  	(tag) =	ssettag $0x1  }
0x1: {  	s3 =	rddreg [dreg:$0x0]  }
0x2: {  	s1 =	rddreg [dreg:$0x1]  }
0x3: {  	s5 =	rddreg [dreg:$0x2];
	s2 =	simm.s32 $0x0  }
0x4: {  	s0 =	srdreg.scid;
	s16 =	stileid.u32;
	s15 =	simm.s32 $0x3FFFFD0  }
0x5: {  	s21 =	simm.s32 $0xC100;
	s22 =	simm.s32 $0xC900;
	s23 =	simm.s32 $0xD100  }
0x6: {  	s25 =	simm.s32 $0xD900;
	[smem:$0x7FF] =	sst s2;
	s10 =	sshll.u32 s16, $0x6  }
0x7: {  	s26 =	simm.s32 $0xE100;
	_ =	strace $0x80000047;
	[dreg:$0x1e] =	wrdreg s10  }
0x8: {  	s18 =	simm.s32 $0xF900;
	s29 =	simm.s32 $0x7900;
	[dreg:$0x5] =	wrdreg s15  }
0x9: {  	s28 =	simm.s32 $0x9900;
	s30 =	simm.s32 $0xA100;
	[dreg:$0x6] =	wrdreg s21  }
0xa: {  	s31 =	simm.s32 $0xB100;
	s8 =	sand.u32 $0x1, s0;
	[dreg:$0x7] =	wrdreg s22  }
0xb: {  	s4 =	sadd.s32 $0x400, s3;
	s7 =	smul.u32 $0x1E, s16;
	[dreg:$0x8] =	wrdreg s23  }
0xc: {  	s20 =	smul.u32 $0x30000, s16;
	s24 =	sshll.u32 s16, $0x3;
	[dreg:$0x9] =	wrdreg s25  }
0xd: {  	s17 =	sxor.u32 $0xF, s16;
	p0 =	sgt.u32 s16, $0x9;
	[dreg:$0xa] =	wrdreg s26  }
0xe: {  	s0 =	ssub.s32 $0x2, s8;
	s15 =	simm.s32 $0xF100;
	[dreg:$0xd] =	wrdreg s18  }
0xf: {  	s9 =	sshll.u32 s8, $0x2;
	s22 =	simm.s32 $0x11100;
	[dreg:$0xc] =	wrdreg s15  }
0x10: {  	s14 =	smul.u32 $0xF, s8;
	s23 =	simm.s32 $0x11900;
	[dreg:$0x10] =	wrdreg s22  }
0x11: {  	s25 =	simm.s32 $0x12100;
	s8 =	smul.u32 $0x3C0, s8;
	[dreg:$0x11] =	wrdreg s23  }
0x12: {  	s26 =	simm.s32 $0x12900;
	s18 =	simm.s32 $0x14900;
	[dreg:$0x12] =	wrdreg s25  }
0x13: {  	s6 =	sshrl.u32 s0, $0x1;
	s19 =	sor.u32 s10, s9;
	[dreg:$0x13] =	wrdreg s26  }
0x14: {  	s15 =	simm.s32 $0x13900;
	[dreg:$0x17] =	wrdreg s18;
	s22 =	simm.s32 $0x16900  }
0x15: {  	s23 =	simm.s32 $0x17100;
	s18 =	simm.s32 $0x3100;
	s25 =	simm.s32 $0x17900  }
0x16: {  	s12 =	ssub.s32 s0, s6;
	s0 =	ssub.s32 $0x407, s19;
	s10 =	sxor.u32 $0x3F7, s19  }
0x17: {  	s11 =	sxor.u32 $0x3E7, s19;
	s13 =	sxor.u32 $0x3D7, s19;
	[dreg:$0x15] =	wrdreg s15  }
0x18: {  	s6 =	sadd.s32 $0x500, s3;
	s7 =	sadd.s32 s14, s7;
	[dreg:$0x1b] =	wrdreg s22  }
0x19: {  	s14 =	sshrl.u32 s20, $0x2;
	s19 =	simm.s32 $0x10100;
	[dreg:$0x1c] =	wrdreg s23  }
0x1a: {  	s20 =	simm.s32 $0x10900;
	s15 =	simm.s32 $0x1900;
	[dreg:$0x1d] =	wrdreg s25  }
0x1b: {  	s25 =	simm.s32 $0x6100;
	s22 =	simm.s32 $0x7100;
	[dreg:$0x4] =	wrdreg s7  }
0x1c: {  	v3 =	vlaneseq.u32;
	s23 =	simm.s32 $0x8100;
	s7 =	sadd.s32 $0x600, s3;
	[dreg:$0xe] =	wrdreg s19  }
0x1d: {  	v0 =	vmul.u32 $0xFFFFFFFF, v3;
	s14 =	sadd.s32 s14, s5;
	[dreg:$0xf] =	wrdreg s20;
	s12 =	smax.u32 s12, $0x1  }
0x1e: {  	s19 =	simm.s32 $0x15100;
	s20 =	simm.s32 $0x15900;
	s3 =	simm.s32 $0x4100  }
0x1f: {  	v1 =	vadd.s32 s0, v0;
	s0 =	simm.s32 $0x9100;
	v6 =	vadd.s32 s11, v0;
	s11 =	simm.s32 $0x1;
	[dreg:$0x1f] =	wrdreg s14  }
0x20: {  	v7 =	vadd.s32 s13, v0;
	s13 =	simm.s32 $0x0;
	s14 =	sor.u32 $0x187, s24;
	[smem:$0x7FA] =	sst s12  }
0x21: {  	s24 =	smul.u32 $0x780, s16;
	s12 =	simm.s32 $0x100;
	[dreg:$0x18] =	wrdreg s19  }
0x22: {  	[dreg:$0x19] =	wrdreg s20;
	s16 =	simm.s32 $0x2100;
	s19 =	simm.s32 $0x3900  }
0x23: {  	[smem:$0x7FD] =	sst s13;
	s9 =	ssub.s32 s14, s9;
	s14 =	simm.s32 $0xE900  }
0x24: {  	v2 =	vshrl.u32 v1, $0x3;
	s9 =	smul.u32 $0xC000, s9;
	[dreg:$0xb] =	wrdreg s14;
	s8 =	sadd.s32 s8, s24  }
0x25: {  	v2 =	vmul.u32 $0x30, v2;
	s14 =	smul.u32 $0x6000, s17;
	s17 =	simm.s32 $0x14100;
	[smem:$0x7FB] =	sst s8  }
0x26: {  	v4 =	vand.u32 $0x7, v1;
	s20 =	simm.s32 $0x6900;
	s24 =	simm.s32 $0x900;
	[dreg:$0x16] =	wrdreg s17  }
0x27: {  	s17 =	simm.s32 $0x2900;
	s8 =	simm.s32 $0x5100;
	v5 =	vor.u32 v4, v2;
	s9 =	sadd.s32 s1, s9  }
0x28: {  	v2 =	vand.u32 $0x7, v3;
	v4 =	vshrl.u32 v3, $0x3;
	v3 =	vor.u32 $0x8, v3;
	s21 =	sshrl.u32 s14, $0x2;
	s14 =	simm.s32 $0x13100;
	[smem:$0x7F9] =	sst s9  }
0x29: {  	v8 =	vperm.xlane v5, v2;
	v9 =	vperm.xlane v5, v3;
	v5 =	vadd.s32 s10, v0;
	s10 =	simm.s32 $0xB900;
	s5 =	sadd.s32 s21, s5;
	[dreg:$0x14] =	wrdreg s14  }
0x2a: {  	v4 =	vmul.u32 $0x8, v4;
	s14 =	simm.s32 $0x1100;
	s21 =	simm.s32 $0x16100;
	s9 =	simm.s32 $0x5900  }
0x2b: {  	[dreg:$0x1a] =	wrdreg s21;
	s21 =	simm.s32 $0x4900;
	s26 =	sshrl.u32 s5, $0x3  }
0x2c: {  	vm0 =	vmmov $0xffff;
	s5 =	simm.s32 $0xA900;
	v8 =	vadd.s32 v4, v8;
	v9 =	vadd.s32 v4, v9;
	[smem:$0x7FC] =	sst s26;
	s26 =	simm.s32 $0x8900  }
.LBB2_1:
.Ltmp0:
0x2d: {  	(pc) =	sbr.rel @p0 .LBB2_3-.Ltmp0, $1  }
0x2e: {  	_ =	sdelay $0x3  }
0x2f: {  	[tilespmem:$0x0] =	vst v1  }
0x30: {  	[tilespmem:$0x10] =	vst v5  }
0x31: {  	[tilespmem:$0x20] =	vst v6  }
0x32: {  	[tilespmem:$0x30] =	vst v7  }
0x33: {  	[tilespmem:s12], [sflag:$0x1] =	stream.indirect_vreg.gather [hbm4b:s4+s2], $0x80, v8, vm0, $0xb8;
	[tilespmem:$0x1F900] =	vst v63  }
0x34: {  	_ = 	snop  }
0x35: {  	[tilespmem:s24], [sflag:$0x1] =	stream.indirect_vreg.gather [hbm4b:s6+s2], $0x80, v8, vm0, $0xb8;
	[tilespmem:$0x1F900] =	vst v63  }
0x36: {  	_ = 	snop  }
0x37: {  	[tilespmem:s14], [sflag:$0x1] =	stream.indirect_vreg.gather [hbm4b:s7+s2], $0x80, v8, vm0, $0xb8;
	[tilespmem:$0x1F900] =	vst v63  }
0x38: {  	_ = 	snop  }
0x39: {  	[tilespmem:s15], [sflag:$0x1] =	stream.indirect_vreg.gather [hbm4b:s4+s2], $0x80, v9, vm0, $0xb8;
	[tilespmem:$0x1F900] =	vst v63  }
0x3a: {  	_ = 	snop  }
0x3b: {  	[tilespmem:s16], [sflag:$0x1] =	stream.indirect_vreg.gather [hbm4b:s6+s2], $0x80, v9, vm0, $0xb8;
	[tilespmem:$0x1F900] =	vst v63  }
0x3c: {  	_ = 	snop  }
0x3d: {  	[tilespmem:s17], [sflag:$0x1] =	stream.indirect_vreg.gather [hbm4b:s7+s2], $0x80, v9, vm0, $0xb8;
	[tilespmem:$0x1F900] =	vst v63  }
0x3e: {  	v10 =	vld [tilespmem:$0x10];
	_ =	sdelay $0x4  }
0x3f: {  	v11 =	vshrl.u32 v10, $0x3  }
0x40: {  	v11 =	vmul.u32 $0x30, v11  }
0x41: {  	v10 =	vand.u32 $0x7, v10  }
0x42: {  	v10 =	vor.u32 v10, v11  }
0x43: {  	v11 =	vperm.xlane v10, v2;
	_ =	sdelay $0x1  }
0x44: {  	v11 =	vadd.s32 v4, v11;
	_ =	sdelay $0x3  }
0x45: {  	v10 =	vperm.xlane v10, v3  }
0x46: {  	[tilespmem:s18], [sflag:$0x1] =	stream.indirect_vreg.gather [hbm4b:s4+s2], $0x80, v11, vm0, $0xb8;
	[tilespmem:$0x1F900] =	vst v63  }
0x47: {  	v10 =	vadd.s32 v4, v10  }
0x48: {  	[tilespmem:s19], [sflag:$0x1] =	stream.indirect_vreg.gather [hbm4b:s6+s2], $0x80, v11, vm0, $0xb8;
	[tilespmem:$0x1F900] =	vst v63  }
0x49: {  	_ = 	snop  }
0x4a: {  	[tilespmem:s3], [sflag:$0x1] =	stream.indirect_vreg.gather [hbm4b:s7+s2], $0x80, v11, vm0, $0xb8;
	[tilespmem:$0x1F900] =	vst v63  }
0x4b: {  	_ = 	snop  }
0x4c: {  	[tilespmem:s21], [sflag:$0x1] =	stream.indirect_vreg.gather [hbm4b:s4+s2], $0x80, v10, vm0, $0xb8;
	[tilespmem:$0x1F900] =	vst v63  }
0x4d: {  	_ = 	snop  }
0x4e: {  	[tilespmem:s8], [sflag:$0x1] =	stream.indirect_vreg.gather [hbm4b:s6+s2], $0x80, v10, vm0, $0xb8;
	[tilespmem:$0x1F900] =	vst v63  }
0x4f: {  	_ = 	snop  }
0x50: {  	[tilespmem:s9], [sflag:$0x1] =	stream.indirect_vreg.gather [hbm4b:s7+s2], $0x80, v10, vm0, $0xb8;
	[tilespmem:$0x1F900] =	vst v63  }
0x51: {  	v10 =	vld [tilespmem:$0x20];
	_ =	sdelay $0x4  }
0x52: {  	v11 =	vshrl.u32 v10, $0x3  }
0x53: {  	v11 =	vmul.u32 $0x30, v11  }
0x54: {  	v10 =	vand.u32 $0x7, v10  }
0x55: {  	v10 =	vor.u32 v10, v11  }
0x56: {  	v11 =	vperm.xlane v10, v2;
	_ =	sdelay $0x1  }
0x57: {  	v11 =	vadd.s32 v4, v11;
	_ =	sdelay $0x3  }
0x58: {  	v10 =	vperm.xlane v10, v3  }
0x59: {  	[tilespmem:s25], [sflag:$0x1] =	stream.indirect_vreg.gather [hbm4b:s4+s2], $0x80, v11, vm0, $0xb8;
	[tilespmem:$0x1F900] =	vst v63  }
0x5a: {  	v10 =	vadd.s32 v4, v10  }
0x5b: {  	[tilespmem:s20], [sflag:$0x1] =	stream.indirect_vreg.gather [hbm4b:s6+s2], $0x80, v11, vm0, $0xb8;
	[tilespmem:$0x1F900] =	vst v63  }
0x5c: {  	_ = 	snop  }
0x5d: {  	[tilespmem:s22], [sflag:$0x1] =	stream.indirect_vreg.gather [hbm4b:s7+s2], $0x80, v11, vm0, $0xb8;
	[tilespmem:$0x1F900] =	vst v63  }
0x5e: {  	_ = 	snop  }
0x5f: {  	[tilespmem:s29], [sflag:$0x1] =	stream.indirect_vreg.gather [hbm4b:s4+s2], $0x80, v10, vm0, $0xb8;
	[tilespmem:$0x1F900] =	vst v63  }
0x60: {  	_ = 	snop  }
0x61: {  	[tilespmem:s23], [sflag:$0x1] =	stream.indirect_vreg.gather [hbm4b:s6+s2], $0x80, v10, vm0, $0xb8;
	[tilespmem:$0x1F900] =	vst v63  }
0x62: {  	_ = 	snop  }
0x63: {  	[tilespmem:s26], [sflag:$0x1] =	stream.indirect_vreg.gather [hbm4b:s7+s2], $0x80, v10, vm0, $0xb8;
	[tilespmem:$0x1F900] =	vst v63  }
0x64: {  	v10 =	vld [tilespmem:$0x30];
	_ =	sdelay $0x4  }
0x65: {  	v11 =	vshrl.u32 v10, $0x3  }
0x66: {  	v11 =	vmul.u32 $0x30, v11  }
0x67: {  	v10 =	vand.u32 $0x7, v10  }
0x68: {  	v10 =	vor.u32 v10, v11  }
0x69: {  	v11 =	vperm.xlane v10, v2;
	_ =	sdelay $0x1  }
0x6a: {  	v11 =	vadd.s32 v4, v11;
	_ =	sdelay $0x3  }
0x6b: {  	v10 =	vperm.xlane v10, v3  }
0x6c: {  	[tilespmem:s0], [sflag:$0x1] =	stream.indirect_vreg.gather [hbm4b:s4+s2], $0x80, v11, vm0, $0xb8;
	[tilespmem:$0x1F900] =	vst v63  }
0x6d: {  	v10 =	vadd.s32 v4, v10  }
0x6e: {  	[tilespmem:s28], [sflag:$0x1] =	stream.indirect_vreg.gather [hbm4b:s6+s2], $0x80, v11, vm0, $0xb8;
	[tilespmem:$0x1F900] =	vst v63  }
0x6f: {  	_ = 	snop  }
0x70: {  	[tilespmem:s30], [sflag:$0x1] =	stream.indirect_vreg.gather [hbm4b:s7+s2], $0x80, v11, vm0, $0xb8;
	[tilespmem:$0x1F900] =	vst v63  }
0x71: {  	_ = 	snop  }
0x72: {  	[tilespmem:s5], [sflag:$0x1] =	stream.indirect_vreg.gather [hbm4b:s4+s2], $0x80, v10, vm0, $0xb8;
	[tilespmem:$0x1F900] =	vst v63  }
0x73: {  	_ = 	snop  }
0x74: {  	[tilespmem:s31], [sflag:$0x1] =	stream.indirect_vreg.gather [hbm4b:s6+s2], $0x80, v10, vm0, $0xb8;
	[tilespmem:$0x1F900] =	vst v63  }
0x75: {  	_ = 	snop  }
0x76: {  	[tilespmem:s10], [sflag:$0x1] =	stream.indirect_vreg.gather [hbm4b:s7+s2], $0x80, v10, vm0, $0xb8;
	[tilespmem:$0x1F900] =	vst v63  }
0x77: {  	_ =	swait.ge [sflag:s11], $0xC000  }
0x78: {  	[sflag:s11] =	ssyncset.done $0x0  }
0x79: {  	s31 =	simm.s32 $0x4;
	s13 =	rddreg [dreg:$0x1f];
	[sflag:s11] =	ssyncadd.s32 $0xFFFF4000  }
0x7a: {  	[spmem:s13] =	stream.linear.scatter [tilespmem:s12], [sflag:$0x4], $0xC000, $0x38;
	[tilespmem:$0x1F900] =	vst v63  }
0x7b: {  	_ =	swait.ge [sflag:s31], $0xC000  }
0x7c: {  	[sflag:s31] =	ssyncset.done $0x0  }
0x7d: {  	[sflag:s31] =	ssyncadd.s32 $0xFFFF4000  }
.LBB2_3:
0x7e: {  	[bflag:$0x0] =	sbarrier.arrive $0xFFFF  }
0x7f: {  	s22 =	simm.s32 $0x0;
	s14 =	sld [smem:$0x7F9]  }
0x80: {  	s9 =	simm.s32 $0x5900;
	s8 =	simm.s32 $0xB900;
	s3 =	sld [smem:$0x7FC]  }
0x81: {  	s10 =	simm.s32 $0x6900;
	s31 =	simm.s32 $0xA100;
	s13 =	rddreg [dreg:$0x1e]  }
0x82: {  	s30 =	simm.s32 $0x9900;
	s28 =	simm.s32 $0x8900;
	s13 =	sor.u32 $0x1C03, s13  }
0x83: {  	[hbm:s14], [sflag:s13] =	dma.local [spmem:s3], $0xC000  }
0x84: {  	s26 =	simm.s32 $0x8100;
	s3 =	simm.s32 $0xB100;
	s13 =	sld [smem:$0x7FB]  }
.LBB2_4:
0x85: {  	p1 =	seq.s32 s22, $0x0  }
0x86: {  	s14 =	rddreg [dreg:$0x4];
	s20 =	simm.s32 @!p1 $0x2  }
0x87: {  	s17 =	rddreg [dreg:$0x5];
	_ =	swait.ge @!p1 [sflag:s20], $0xC000  }
0x88: {  	[sflag:s20] =	ssyncset.done @!p1 $0x0  }
0x89: {  	[sflag:s20] =	ssyncadd.s32 @!p1 $0xFFFF4000  }
0x8a: {  	_ =	swait.ge @!p1 [sflag:s20], $0xC000  }
0x8b: {  	[sflag:s20] =	ssyncset.done @!p1 $0x0  }
0x8c: {  	[sflag:s20] =	ssyncadd.s32 @!p1 $0xFFFF4000  }
0x8d: {  	_ =	swait.ge @!p1 [sflag:s20], $0xC000  }
0x8e: {  	s19 =	simm.s32 $0x1;
	[sflag:s20] =	ssyncset.done @!p1 $0x0  }
0x8f: {  	s16 =	simm.s32 $0x3;
	s14 =	sadd.s32 s22, s14;
	[sflag:s20] =	ssyncadd.s32 @!p1 $0xFFFF4000  }
0x90: {  	p2 =	sgt.u32 s14, $0xBF;
	s23 =	sshrl.u32 s14, $0x3;
	_ =	swait.ge @!p1 [sflag:s20], $0xC000  }
0x91: {  	s19 =	simm.s32 @!p2 $0x0;
	p2 =	slt.u32 s14, $0x1B0;
	[sflag:s20] =	ssyncset.done @!p1 $0x0  }
0x92: {  	s24 =	sshrl.u32 s14, $0x6;
	s16 =	simm.s32 @!p2 $0x7;
	[sflag:s20] =	ssyncadd.s32 @!p1 $0xFFFF4000  }
0x93: {  	s17 =	simm.s32 @!p2 $0x3FFFFCA;
	p2 =	slt.u32 s14, $0x180;
	_ =	swait.ge @!p1 [sflag:s20], $0xC000  }
0x94: {  	s14 =	sand.u32 $0x7, s23;
	s17 =	sadd.s32 s23, s17;
	[sflag:s20] =	ssyncset.done @!p1 $0x0  }
0x95: {  	s19 =	sadd.s32 s19, s24;
	s17 =	smov.u32 @p2 s14;
	[sflag:s20] =	ssyncadd.s32 @!p1 $0xFFFF4000  }
0x96: {  	s16 =	smov.u32 @p2 s19;
	s17 =	sshll.u32 s17, $0x6;
	_ =	swait.ge @!p1 [sflag:s20], $0xC000  }
0x97: {  	s24 =	sadd.s32 s17, s16;
	[sflag:s20] =	ssyncset.done @!p1 $0x0  }
0x98: {  	s19 =	sand.u32 $0x1C0, s13;
	s14 =	sadd.s32 $0x38, s24;
	[sflag:s20] =	ssyncadd.s32 @!p1 $0xFFFF4000  }
0x99: {  	s23 =	ssub.s32 s14, s19;
	_ =	swait.ge @!p1 [sflag:s20], $0xC000  }
0x9a: {  	s24 =	sadd.s32 $0x208, s23;
	[sflag:s20] =	ssyncset.done @!p1 $0x0  }
0x9b: {  	v10 =	vadd.s32 s24, v0;
	[sflag:s20] =	ssyncadd.s32 @!p1 $0xFFFF4000  }
0x9c: {  	v11 =	vshrl.u32 v10, $0x3;
	_ =	swait.ge @!p1 [sflag:s20], $0xC000  }
0x9d: {  	v11 =	vmul.u32 $0x30, v11;
	[sflag:s20] =	ssyncset.done @!p1 $0x0  }
0x9e: {  	v12 =	vand.u32 $0x7, v10;
	[sflag:s20] =	ssyncadd.s32 @!p1 $0xFFFF4000;
	s20 =	sadd.s32 $0x1F8, s23  }
0x9f: {  	v11 =	vor.u32 v12, v11;
	[tilespmem:$0x80] =	vst v10;
	v10 =	vadd.s32 s20, v0;
	s20 =	sadd.s32 $0x1E8, s23  }
0xa0: {  	v12 =	vperm.xlane v11, v2;
	[tilespmem:$0x90] =	vst v10;
	v10 =	vadd.s32 s20, v0;
	s20 =	sadd.s32 $0x1D8, s23  }
0xa1: {  	[tilespmem:$0xA0] =	vst v10;
	v10 =	vadd.s32 s20, v0;
	s20 =	sadd.s32 $0x1C8, s23  }
0xa2: {  	v12 =	vadd.s32 v4, v12;
	[tilespmem:$0xB0] =	vst v10;
	v10 =	vadd.s32 s20, v0;
	s20 =	sadd.s32 $0x1B8, s23  }
0xa3: {  	[tilespmem:$0xC0] =	vst v10;
	v10 =	vadd.s32 s20, v0;
	s20 =	sadd.s32 $0x1A8, s23  }
0xa4: {  	s23 =	sadd.s32 $0x198, s23;
	[tilespmem:$0xD0] =	vst v10;
	v10 =	vadd.s32 s20, v0  }
0xa5: {  	[tilespmem:$0xE0] =	vst v10;
	v10 =	vadd.s32 s23, v0  }
0xa6: {  	[tilespmem:$0xF0] =	vst v10;
	v10 =	vperm.xlane v11, v3  }
0xa7: {  	[tilespmem:s12], [sflag:$0x1] =	stream.indirect_vreg.gather [hbm4b:s4+s2], $0x80, v12, vm0, $0xb8;
	[tilespmem:$0x1F900] =	vst v63  }
0xa8: {  	s24 =	simm.s32 $0x900;
	v10 =	vadd.s32 v4, v10  }
0xa9: {  	[tilespmem:s24], [sflag:$0x1] =	stream.indirect_vreg.gather [hbm4b:s6+s2], $0x80, v12, vm0, $0xb8;
	[tilespmem:$0x1F900] =	vst v63  }
0xaa: {  	s23 =	simm.s32 $0x1100  }
0xab: {  	[tilespmem:s23], [sflag:$0x1] =	stream.indirect_vreg.gather [hbm4b:s7+s2], $0x80, v12, vm0, $0xb8;
	[tilespmem:$0x1F900] =	vst v63  }
0xac: {  	_ = 	snop  }
0xad: {  	[tilespmem:s15], [sflag:$0x1] =	stream.indirect_vreg.gather [hbm4b:s4+s2], $0x80, v10, vm0, $0xb8;
	[tilespmem:$0x1F900] =	vst v63  }
0xae: {  	s23 =	simm.s32 $0x2100  }
0xaf: {  	[tilespmem:s23], [sflag:$0x1] =	stream.indirect_vreg.gather [hbm4b:s6+s2], $0x80, v10, vm0, $0xb8;
	[tilespmem:$0x1F900] =	vst v63  }
0xb0: {  	s23 =	simm.s32 $0x2900  }
0xb1: {  	[tilespmem:s23], [sflag:$0x1] =	stream.indirect_vreg.gather [hbm4b:s7+s2], $0x80, v10, vm0, $0xb8;
	[tilespmem:$0x1F900] =	vst v63  }
0xb2: {  	v10 =	vld [tilespmem:$0x90];
	_ =	sdelay $0x4  }
0xb3: {  	v11 =	vshrl.u32 v10, $0x3  }
0xb4: {  	v11 =	vmul.u32 $0x30, v11  }
0xb5: {  	v10 =	vand.u32 $0x7, v10  }
0xb6: {  	v10 =	vor.u32 v10, v11  }
0xb7: {  	v11 =	vperm.xlane v10, v2;
	_ =	sdelay $0x1  }
0xb8: {  	v11 =	vadd.s32 v4, v11;
	_ =	sdelay $0x3  }
0xb9: {  	v10 =	vperm.xlane v10, v3  }
0xba: {  	[tilespmem:s18], [sflag:$0x1] =	stream.indirect_vreg.gather [hbm4b:s4+s2], $0x80, v11, vm0, $0xb8;
	[tilespmem:$0x1F900] =	vst v63  }
0xbb: {  	s23 =	simm.s32 $0x3900;
	v10 =	vadd.s32 v4, v10  }
0xbc: {  	[tilespmem:s23], [sflag:$0x1] =	stream.indirect_vreg.gather [hbm4b:s6+s2], $0x80, v11, vm0, $0xb8;
	[tilespmem:$0x1F900] =	vst v63  }
0xbd: {  	s23 =	simm.s32 $0x4100  }
0xbe: {  	[tilespmem:s23], [sflag:$0x1] =	stream.indirect_vreg.gather [hbm4b:s7+s2], $0x80, v11, vm0, $0xb8;
	[tilespmem:$0x1F900] =	vst v63  }
0xbf: {  	_ = 	snop  }
0xc0: {  	[tilespmem:s21], [sflag:$0x1] =	stream.indirect_vreg.gather [hbm4b:s4+s2], $0x80, v10, vm0, $0xb8;
	[tilespmem:$0x1F900] =	vst v63  }
0xc1: {  	s23 =	simm.s32 $0x5100  }
0xc2: {  	[tilespmem:s23], [sflag:$0x1] =	stream.indirect_vreg.gather [hbm4b:s6+s2], $0x80, v10, vm0, $0xb8;
	[tilespmem:$0x1F900] =	vst v63  }
0xc3: {  	_ = 	snop  }
0xc4: {  	[tilespmem:s9], [sflag:$0x1] =	stream.indirect_vreg.gather [hbm4b:s7+s2], $0x80, v10, vm0, $0xb8;
	[tilespmem:$0x1F900] =	vst v63  }
0xc5: {  	v10 =	vld [tilespmem:$0xA0];
	_ =	sdelay $0x4  }
0xc6: {  	v11 =	vshrl.u32 v10, $0x3  }
0xc7: {  	v11 =	vmul.u32 $0x30, v11  }
0xc8: {  	v10 =	vand.u32 $0x7, v10  }
0xc9: {  	v10 =	vor.u32 v10, v11  }
0xca: {  	v11 =	vperm.xlane v10, v2;
	_ =	sdelay $0x1  }
0xcb: {  	v11 =	vadd.s32 v4, v11;
	_ =	sdelay $0x3  }
0xcc: {  	v10 =	vperm.xlane v10, v3  }
0xcd: {  	[tilespmem:s25], [sflag:$0x1] =	stream.indirect_vreg.gather [hbm4b:s4+s2], $0x80, v11, vm0, $0xb8;
	[tilespmem:$0x1F900] =	vst v63  }
0xce: {  	v10 =	vadd.s32 v4, v10  }
0xcf: {  	[tilespmem:s10], [sflag:$0x1] =	stream.indirect_vreg.gather [hbm4b:s6+s2], $0x80, v11, vm0, $0xb8;
	[tilespmem:$0x1F900] =	vst v63  }
0xd0: {  	s23 =	simm.s32 $0x7100  }
0xd1: {  	[tilespmem:s23], [sflag:$0x1] =	stream.indirect_vreg.gather [hbm4b:s7+s2], $0x80, v11, vm0, $0xb8;
	[tilespmem:$0x1F900] =	vst v63  }
0xd2: {  	_ = 	snop  }
0xd3: {  	[tilespmem:s29], [sflag:$0x1] =	stream.indirect_vreg.gather [hbm4b:s4+s2], $0x80, v10, vm0, $0xb8;
	[tilespmem:$0x1F900] =	vst v63  }
0xd4: {  	_ = 	snop  }
0xd5: {  	[tilespmem:s26], [sflag:$0x1] =	stream.indirect_vreg.gather [hbm4b:s6+s2], $0x80, v10, vm0, $0xb8;
	[tilespmem:$0x1F900] =	vst v63  }
0xd6: {  	_ = 	snop  }
0xd7: {  	[tilespmem:s28], [sflag:$0x1] =	stream.indirect_vreg.gather [hbm4b:s7+s2], $0x80, v10, vm0, $0xb8;
	[tilespmem:$0x1F900] =	vst v63  }
0xd8: {  	v10 =	vld [tilespmem:$0xB0];
	_ =	sdelay $0x4  }
0xd9: {  	v11 =	vshrl.u32 v10, $0x3  }
0xda: {  	v11 =	vmul.u32 $0x30, v11  }
0xdb: {  	v10 =	vand.u32 $0x7, v10  }
0xdc: {  	v10 =	vor.u32 v10, v11  }
0xdd: {  	v11 =	vperm.xlane v10, v2;
	_ =	sdelay $0x1  }
0xde: {  	v11 =	vadd.s32 v4, v11;
	_ =	sdelay $0x3  }
0xdf: {  	v10 =	vperm.xlane v10, v3  }
0xe0: {  	[tilespmem:s0], [sflag:$0x1] =	stream.indirect_vreg.gather [hbm4b:s4+s2], $0x80, v11, vm0, $0xb8;
	[tilespmem:$0x1F900] =	vst v63  }
0xe1: {  	v10 =	vadd.s32 v4, v10  }
0xe2: {  	[tilespmem:s30], [sflag:$0x1] =	stream.indirect_vreg.gather [hbm4b:s6+s2], $0x80, v11, vm0, $0xb8;
	[tilespmem:$0x1F900] =	vst v63  }
0xe3: {  	_ = 	snop  }
0xe4: {  	[tilespmem:s31], [sflag:$0x1] =	stream.indirect_vreg.gather [hbm4b:s7+s2], $0x80, v11, vm0, $0xb8;
	[tilespmem:$0x1F900] =	vst v63  }
0xe5: {  	_ = 	snop  }
0xe6: {  	[tilespmem:s5], [sflag:$0x1] =	stream.indirect_vreg.gather [hbm4b:s4+s2], $0x80, v10, vm0, $0xb8;
	[tilespmem:$0x1F900] =	vst v63  }
0xe7: {  	_ = 	snop  }
0xe8: {  	[tilespmem:s3], [sflag:$0x1] =	stream.indirect_vreg.gather [hbm4b:s6+s2], $0x80, v10, vm0, $0xb8;
	[tilespmem:$0x1F900] =	vst v63  }
0xe9: {  	_ = 	snop  }
0xea: {  	[tilespmem:s8], [sflag:$0x1] =	stream.indirect_vreg.gather [hbm4b:s7+s2], $0x80, v10, vm0, $0xb8;
	[tilespmem:$0x1F900] =	vst v63  }
0xeb: {  	v10 =	vld [tilespmem:$0xC0];
	_ =	sdelay $0x4  }
0xec: {  	v11 =	vshrl.u32 v10, $0x3  }
0xed: {  	v11 =	vmul.u32 $0x30, v11  }
0xee: {  	v10 =	vand.u32 $0x7, v10  }
0xef: {  	v10 =	vor.u32 v10, v11  }
0xf0: {  	v11 =	vperm.xlane v10, v2;
	_ =	sdelay $0x1  }
0xf1: {  	v11 =	vadd.s32 v4, v11;
	_ =	sdelay $0x3  }
0xf2: {  	s20 =	rddreg [dreg:$0x6];
	v10 =	vperm.xlane v10, v3  }
0xf3: {  	[tilespmem:s20], [sflag:$0x1] =	stream.indirect_vreg.gather [hbm4b:s4+s2], $0x80, v11, vm0, $0xb8;
	[tilespmem:$0x1F900] =	vst v63  }
0xf4: {  	s23 =	rddreg [dreg:$0x7];
	v10 =	vadd.s32 v4, v10  }
0xf5: {  	[tilespmem:s23], [sflag:$0x1] =	stream.indirect_vreg.gather [hbm4b:s6+s2], $0x80, v11, vm0, $0xb8;
	[tilespmem:$0x1F900] =	vst v63  }
0xf6: {  	s20 =	rddreg [dreg:$0x8]  }
0xf7: {  	[tilespmem:s20], [sflag:$0x1] =	stream.indirect_vreg.gather [hbm4b:s7+s2], $0x80, v11, vm0, $0xb8;
	[tilespmem:$0x1F900] =	vst v63  }
0xf8: {  	s23 =	rddreg [dreg:$0x9]  }
0xf9: {  	[tilespmem:s23], [sflag:$0x1] =	stream.indirect_vreg.gather [hbm4b:s4+s2], $0x80, v10, vm0, $0xb8;
	[tilespmem:$0x1F900] =	vst v63  }
0xfa: {  	s20 =	rddreg [dreg:$0xa]  }
0xfb: {  	[tilespmem:s20], [sflag:$0x1] =	stream.indirect_vreg.gather [hbm4b:s6+s2], $0x80, v10, vm0, $0xb8;
	[tilespmem:$0x1F900] =	vst v63  }
0xfc: {  	s23 =	rddreg [dreg:$0xb]  }
0xfd: {  	[tilespmem:s23], [sflag:$0x1] =	stream.indirect_vreg.gather [hbm4b:s7+s2], $0x80, v10, vm0, $0xb8;
	[tilespmem:$0x1F900] =	vst v63  }
0xfe: {  	v10 =	vld [tilespmem:$0xD0];
	_ =	sdelay $0x4  }
0xff: {  	v11 =	vshrl.u32 v10, $0x3  }
0x100: {  	v11 =	vmul.u32 $0x30, v11  }
0x101: {  	v10 =	vand.u32 $0x7, v10  }
0x102: {  	v10 =	vor.u32 v10, v11  }
0x103: {  	v11 =	vperm.xlane v10, v2;
	_ =	sdelay $0x1  }
0x104: {  	v11 =	vadd.s32 v4, v11;
	_ =	sdelay $0x3  }
0x105: {  	s20 =	rddreg [dreg:$0xc];
	v10 =	vperm.xlane v10, v3  }
0x106: {  	[tilespmem:s20], [sflag:$0x1] =	stream.indirect_vreg.gather [hbm4b:s4+s2], $0x80, v11, vm0, $0xb8;
	[tilespmem:$0x1F900] =	vst v63  }
0x107: {  	s23 =	rddreg [dreg:$0xd];
	v10 =	vadd.s32 v4, v10  }
0x108: {  	[tilespmem:s23], [sflag:$0x1] =	stream.indirect_vreg.gather [hbm4b:s6+s2], $0x80, v11, vm0, $0xb8;
	[tilespmem:$0x1F900] =	vst v63  }
0x109: {  	s20 =	rddreg [dreg:$0xe]  }
0x10a: {  	[tilespmem:s20], [sflag:$0x1] =	stream.indirect_vreg.gather [hbm4b:s7+s2], $0x80, v11, vm0, $0xb8;
	[tilespmem:$0x1F900] =	vst v63  }
0x10b: {  	s23 =	rddreg [dreg:$0xf]  }
0x10c: {  	[tilespmem:s23], [sflag:$0x1] =	stream.indirect_vreg.gather [hbm4b:s4+s2], $0x80, v10, vm0, $0xb8;
	[tilespmem:$0x1F900] =	vst v63  }
0x10d: {  	s20 =	rddreg [dreg:$0x10]  }
0x10e: {  	[tilespmem:s20], [sflag:$0x1] =	stream.indirect_vreg.gather [hbm4b:s6+s2], $0x80, v10, vm0, $0xb8;
	[tilespmem:$0x1F900] =	vst v63  }
0x10f: {  	s23 =	rddreg [dreg:$0x11]  }
0x110: {  	[tilespmem:s23], [sflag:$0x1] =	stream.indirect_vreg.gather [hbm4b:s7+s2], $0x80, v10, vm0, $0xb8;
	[tilespmem:$0x1F900] =	vst v63  }
0x111: {  	v10 =	vld [tilespmem:$0xE0];
	_ =	sdelay $0x4  }
0x112: {  	v11 =	vshrl.u32 v10, $0x3  }
0x113: {  	v11 =	vmul.u32 $0x30, v11  }
0x114: {  	v10 =	vand.u32 $0x7, v10  }
0x115: {  	v10 =	vor.u32 v10, v11  }
0x116: {  	v11 =	vperm.xlane v10, v2;
	_ =	sdelay $0x1  }
0x117: {  	v11 =	vadd.s32 v4, v11;
	_ =	sdelay $0x3  }
0x118: {  	s20 =	rddreg [dreg:$0x12];
	v10 =	vperm.xlane v10, v3  }
0x119: {  	[tilespmem:s20], [sflag:$0x1] =	stream.indirect_vreg.gather [hbm4b:s4+s2], $0x80, v11, vm0, $0xb8;
	[tilespmem:$0x1F900] =	vst v63  }
0x11a: {  	s23 =	rddreg [dreg:$0x13];
	v10 =	vadd.s32 v4, v10  }
0x11b: {  	[tilespmem:s23], [sflag:$0x1] =	stream.indirect_vreg.gather [hbm4b:s6+s2], $0x80, v11, vm0, $0xb8;
	[tilespmem:$0x1F900] =	vst v63  }
0x11c: {  	s20 =	rddreg [dreg:$0x14]  }
0x11d: {  	[tilespmem:s20], [sflag:$0x1] =	stream.indirect_vreg.gather [hbm4b:s7+s2], $0x80, v11, vm0, $0xb8;
	[tilespmem:$0x1F900] =	vst v63  }
0x11e: {  	s23 =	rddreg [dreg:$0x15]  }
0x11f: {  	[tilespmem:s23], [sflag:$0x1] =	stream.indirect_vreg.gather [hbm4b:s4+s2], $0x80, v10, vm0, $0xb8;
	[tilespmem:$0x1F900] =	vst v63  }
0x120: {  	s20 =	rddreg [dreg:$0x16]  }
0x121: {  	[tilespmem:s20], [sflag:$0x1] =	stream.indirect_vreg.gather [hbm4b:s6+s2], $0x80, v10, vm0, $0xb8;
	[tilespmem:$0x1F900] =	vst v63  }
0x122: {  	s23 =	rddreg [dreg:$0x17]  }
0x123: {  	[tilespmem:s23], [sflag:$0x1] =	stream.indirect_vreg.gather [hbm4b:s7+s2], $0x80, v10, vm0, $0xb8;
	[tilespmem:$0x1F900] =	vst v63  }
0x124: {  	v10 =	vld [tilespmem:$0xF0];
	_ =	sdelay $0x4  }
0x125: {  	v11 =	vshrl.u32 v10, $0x3  }
0x126: {  	v11 =	vmul.u32 $0x30, v11  }
0x127: {  	v10 =	vand.u32 $0x7, v10  }
0x128: {  	v10 =	vor.u32 v10, v11  }
0x129: {  	v11 =	vperm.xlane v10, v2;
	_ =	sdelay $0x1  }
0x12a: {  	v11 =	vadd.s32 v4, v11;
	_ =	sdelay $0x3  }
0x12b: {  	s20 =	rddreg [dreg:$0x18];
	v10 =	vperm.xlane v10, v3  }
0x12c: {  	[tilespmem:s20], [sflag:$0x1] =	stream.indirect_vreg.gather [hbm4b:s4+s2], $0x80, v11, vm0, $0xb8;
	[tilespmem:$0x1F900] =	vst v63  }
0x12d: {  	s23 =	rddreg [dreg:$0x19];
	v10 =	vadd.s32 v4, v10  }
0x12e: {  	[tilespmem:s23], [sflag:$0x1] =	stream.indirect_vreg.gather [hbm4b:s6+s2], $0x80, v11, vm0, $0xb8;
	[tilespmem:$0x1F900] =	vst v63  }
0x12f: {  	s20 =	rddreg [dreg:$0x1a]  }
0x130: {  	[tilespmem:s20], [sflag:$0x1] =	stream.indirect_vreg.gather [hbm4b:s7+s2], $0x80, v11, vm0, $0xb8;
	[tilespmem:$0x1F900] =	vst v63  }
0x131: {  	s16 =	sadd.s32 s16, s17;
	s23 =	rddreg [dreg:$0x1b]  }
0x132: {  	[tilespmem:s23], [sflag:$0x1] =	stream.indirect_vreg.gather [hbm4b:s4+s2], $0x80, v10, vm0, $0xb8;
	[tilespmem:$0x1F900] =	vst v63  }
0x133: {  	s16 =	smul.u32 $0x60000, s16;
	s19 =	sshrl.u32 s19, $0x3;
	s20 =	rddreg [dreg:$0x1c]  }
0x134: {  	[tilespmem:s20], [sflag:$0x1] =	stream.indirect_vreg.gather [hbm4b:s6+s2], $0x80, v10, vm0, $0xb8;
	[tilespmem:$0x1F900] =	vst v63  }
0x135: {  	s17 =	smul.u32 $0x1800, s19;
	s23 =	rddreg [dreg:$0x1d]  }
0x136: {  	[tilespmem:s23], [sflag:$0x1] =	stream.indirect_vreg.gather [hbm4b:s7+s2], $0x80, v10, vm0, $0xb8;
	[tilespmem:$0x1F900] =	vst v63  }
0x137: {  	s16 =	sadd.s32 s17, s16;
	_ =	swait.ge [sflag:s11], $0x18000  }
0x138: {  	s20 =	sshrl.u32 s16, $0x3;
	[sflag:s11] =	ssyncset.done $0x0  }
0x139: {  	s19 =	sadd.s32 s1, s20;
	s23 =	sadd.s32 $0x300000, s16;
	[sflag:s11] =	ssyncadd.s32 $0xFFFE8000  }
0x13a: {  	[hbm4b:s19+s2] =	stream.linear.scatter [tilespmem:s5], [sflag:$0x2], $0xC000, $0x38;
	[tilespmem:$0x1F900] =	vst v63  }
0x13b: {  	s19 =	sshrl.u32 s23, $0x3  }
0x13c: {  	s20 =	sadd.s32 $0x600000, s16;
	s19 =	sadd.s32 s1, s19  }
0x13d: {  	[hbm4b:s19+s2] =	stream.linear.scatter [tilespmem:s0], [sflag:$0x2], $0xC000, $0x38;
	[tilespmem:$0x1F900] =	vst v63  }
0x13e: {  	s19 =	sshrl.u32 s20, $0x3  }
0x13f: {  	s23 =	sadd.s32 $0x900000, s16;
	s19 =	sadd.s32 s1, s19  }
0x140: {  	[hbm4b:s19+s2] =	stream.linear.scatter [tilespmem:s29], [sflag:$0x2], $0xC000, $0x38;
	[tilespmem:$0x1F900] =	vst v63  }
0x141: {  	s19 =	sshrl.u32 s23, $0x3  }
0x142: {  	s20 =	sadd.s32 $0xC00000, s16;
	s19 =	sadd.s32 s1, s19  }
0x143: {  	[hbm4b:s19+s2] =	stream.linear.scatter [tilespmem:s25], [sflag:$0x2], $0xC000, $0x38;
	[tilespmem:$0x1F900] =	vst v63  }
0x144: {  	s19 =	sshrl.u32 s20, $0x3  }
0x145: {  	s23 =	sadd.s32 $0xF00000, s16;
	s19 =	sadd.s32 s1, s19  }
0x146: {  	[hbm4b:s19+s2] =	stream.linear.scatter [tilespmem:s21], [sflag:$0x2], $0xC000, $0x38;
	[tilespmem:$0x1F900] =	vst v63  }
0x147: {  	s22 =	sadd.s32 $0x1, s22;
	s14 =	smul.u32 $0x60000, s14;
	s19 =	sshrl.u32 s23, $0x3  }
0x148: {  	p1 =	sne.s32 s22, $0xF;
	s16 =	sadd.s32 $0x1200000, s16;
	s19 =	sadd.s32 s1, s19  }
0x149: {  	[hbm4b:s19+s2] =	stream.linear.scatter [tilespmem:s18], [sflag:$0x2], $0xC000, $0x38;
	[tilespmem:$0x1F900] =	vst v63  }
.Ltmp1:
0x14a: {  	s14 =	sadd.s32 s17, s14;
	s16 =	sshrl.u32 s16, $0x3;
	(pc) =	sbr.rel @p1 .LBB2_4-.Ltmp1, $4  }
0x14b: {  	s14 =	sshrl.u32 s14, $0x3;
	s16 =	sadd.s32 s1, s16  }
0x14c: {  	[hbm4b:s16+s2] =	stream.linear.scatter [tilespmem:s15], [sflag:$0x2], $0xC000, $0x38;
	[tilespmem:$0x1F900] =	vst v63  }
0x14d: {  	s13 =	sadd.s32 $0x40, s13;
	s14 =	sadd.s32 s1, s14  }
0x14e: {  	[hbm4b:s14+s2] =	stream.linear.scatter [tilespmem:s12], [sflag:$0x2], $0xC000, $0x38;
	[tilespmem:$0x1F900] =	vst v63  }
0x14f: {  	s3 =	simm.s32 $0x2  }
0x150: {  	_ =	swait.ge [sflag:s3], $0xC000  }
0x151: {  	[sflag:s3] =	ssyncset.done $0x0  }
0x152: {  	[sflag:s3] =	ssyncadd.s32 $0xFFFF4000  }
0x153: {  	_ =	swait.ge [sflag:s3], $0xC000  }
0x154: {  	[sflag:s3] =	ssyncset.done $0x0  }
0x155: {  	[sflag:s3] =	ssyncadd.s32 $0xFFFF4000  }
0x156: {  	_ =	swait.ge [sflag:s3], $0xC000  }
0x157: {  	[sflag:s3] =	ssyncset.done $0x0  }
0x158: {  	[sflag:s3] =	ssyncadd.s32 $0xFFFF4000  }
0x159: {  	_ =	swait.ge [sflag:s3], $0xC000  }
0x15a: {  	[sflag:s3] =	ssyncset.done $0x0  }
0x15b: {  	[sflag:s3] =	ssyncadd.s32 $0xFFFF4000  }
0x15c: {  	_ =	swait.ge [sflag:s3], $0xC000  }
0x15d: {  	[sflag:s3] =	ssyncset.done $0x0  }
0x15e: {  	[sflag:s3] =	ssyncadd.s32 $0xFFFF4000  }
0x15f: {  	_ =	swait.ge [sflag:s3], $0xC000  }
0x160: {  	[sflag:s3] =	ssyncset.done $0x0  }
0x161: {  	[sflag:s3] =	ssyncadd.s32 $0xFFFF4000  }
0x162: {  	_ =	swait.ge [sflag:s3], $0xC000  }
0x163: {  	[sflag:s3] =	ssyncset.done $0x0  }
0x164: {  	[sflag:s3] =	ssyncadd.s32 $0xFFFF4000  }
0x165: {  	_ =	swait.ge [sflag:s3], $0xC000  }
0x166: {  	[sflag:s3] =	ssyncset.done $0x0  }
0x167: {  	s26 =	simm.s32 $0x3;
	[sflag:s3] =	ssyncadd.s32 $0xFFFF4000  }
0x168: {  	_ =	swait.ge [sflag:s26], $0xC000  }
0x169: {  	s8 =	sld [smem:$0x7FD]  }
0x16a: {  	s13 =	sld [smem:$0x7FA];
	_ =	sdelay $0x1  }
0x16b: {  	s14 =	simm.s32 $0x1100;
	s16 =	simm.s32 $0x2100;
	s8 =	sadd.s32 $0x1, s8  }
0x16c: {  	s17 =	simm.s32 $0x2900;
	s19 =	simm.s32 $0x3900;
	p1 =	sne.s32 s8, s13  }
.Ltmp2:
0x16d: {  	s9 =	simm.s32 $0x5900;
	s20 =	simm.s32 $0x6900;
	(pc) =	sbr.rel @p1 .LBB2_1-.Ltmp2, $4  }
0x16e: {  	s22 =	simm.s32 $0x7100;
	s23 =	simm.s32 $0x8100;
	s28 =	simm.s32 $0x9900  }
0x16f: {  	s30 =	simm.s32 $0xA100;
	s31 =	simm.s32 $0xB100;
	[sflag:s26] =	ssyncset.done $0x0  }
0x170: {  	s10 =	simm.s32 $0xB900;
	s3 =	simm.s32 $0x4100;
	[sflag:s26] =	ssyncadd.s32 $0xFFFF4000  }
0x171: {  	s26 =	simm.s32 $0x8900;
	[smem:$0x7FD] =	sst s8;
	s8 =	simm.s32 $0x5100  }
0x172: {  	_ =	sfence.sel $0x180000  }
0x173: {  	[bflag:$0x0] =	sbarrier.arrive $0xFFFF  }
0x174: {  	_ =	strace $0x90000047  }
0x175: {  	s0 =	stileid.u32;
	[bflag:$0x2] =	sbarrier.arrive $0xFFFF  }
0x176: {  	p0 =	sne.s32 s0, $0x0;
	s0 =	rddreg [dreg:$0x3]  }
0x177: {  	s0 =	sadd.s32 @!p0 $0x100000, s0  }
0x178: {  	[sflag:s0] =	ssyncadd.tile.s32 @!p0 $0x1;
	_ =	shalt  }
.Lfunc_end2:
_tile_overlayer_lowered:
.L_overlay_start_2:
0x179: {  	(tag) =	ssettag $0x2  }
0x17a: {  	s0 =	rddreg [dreg:$0x0];
	s2 =	stileid.u32  }
0x17b: {  	s1 =	rddreg [dreg:$0x1];
	p0 =	sne.s32 s2, $0x0  }
0x17c: {  	s3 =	rddreg [dreg:$0x2];
	[bflag:$0x3] =	sbarrier.arrive $0xFFFF;
	s2 =	simm.s32 @!p0 $0x1C04  }
0x17d: {  	[timem:s3], [sflag:s2] =	dma.local @!p0 [hbm:s0], s1  }
0x17e: {  	s0 =	simm.s32 @!p0 $0x4  }
0x17f: {  	_ =	swait.ge @!p0 [sflag:s0], s1  }
0x180: {  	s1 =	ssub.s32 @!p0 $0x0, s1;
	[sflag:s0] =	ssyncset.done @!p0 $0x0  }
0x181: {  	[sflag:s0] =	ssyncadd.s32 @!p0 s1  }
0x182: {  	[bflag:$0x3] =	sbarrier.arrive $0xFFFF  }
0x183: {  	_ =	shalt  }

</sc_bundles>
